<compile_context>
chip_gen: v7x
topology: tpu7x:2x2x1
jax: 0.10.2.dev20260603
libtpu: 0.0.44.dev20260713+nightly
codegen_flags: <defaults>
</compile_context>

<pallas_src>
import functools

import jax
import jax.numpy as jnp
from jax import lax
from jax.experimental import pallas as pl
from jax.experimental.pallas import tpu as pltpu
from jax.experimental.pallas import tpu_sc as plsc

_B, _S, _H = 1024, 200, 128
_N = _B * _S
_NC, _NS = 2, 16
_NW = _NC * _NS
_PER_W = _N // _NW
_CH = 128
_NCH = _PER_W // _CH
_NBUF = 6
_GDEPTH = 4

_mesh = plsc.VectorSubcoreMesh(core_axis_name="c", subcore_axis_name="s")


@functools.partial(
    pl.kernel,
    out_type=jax.ShapeDtypeStruct((_N, _H), jnp.float32),
    mesh=_mesh,
    scratch_types=[
        pltpu.VMEM((_NCH, _CH), jnp.int32),
        pltpu.VMEM((_NBUF, _CH, _H), jnp.float32),
        pltpu.SemaphoreType.DMA,
        pltpu.SemaphoreType.DMA,
    ],
)
def _embed_gather(idx_hbm, tbl_hbm, out_hbm, idx_v, rows_v, gsem, wsem):
    wid = lax.axis_index("s") * _NC + lax.axis_index("c")
    row0 = wid * _PER_W
    pltpu.sync_copy(idx_hbm.at[wid], idx_v)

    def fire(s, p):
        pltpu.async_copy(tbl_hbm.at[idx_v.at[s]], rows_v.at[p], gsem)

    def drain_gather(p):
        pltpu.make_async_copy(
            tbl_hbm.at[pl.ds(0, _CH)], rows_v.at[p], gsem
        ).wait()

    def start_wb(s, p):
        pltpu.async_copy(
            rows_v.at[p], out_hbm.at[pl.ds(row0 + s * _CH, _CH)], wsem
        )

    def drain_wb():
        pltpu.make_async_copy(
            rows_v.at[0], out_hbm.at[pl.ds(0, _CH)], wsem
        ).wait()

    def stage(s, p, wbwait, nfire):
        drain_gather(p)
        if wbwait:
            drain_wb()
        start_wb(s, p)
        if nfire:
            fire(s + _GDEPTH, (p + _GDEPTH) % _NBUF)

    for s in range(_GDEPTH):
        fire(s, s)
    stage(0, 0, wbwait=False, nfire=True)
    stage(1, 1, wbwait=False, nfire=True)

    @pl.loop(2, 44, step=_NBUF)
    def _steady(g):
        for i in range(_NBUF):
            stage(g + i, (2 + i) % _NBUF, wbwait=True, nfire=True)

    for s in range(44, 46):
        stage(s, s % _NBUF, wbwait=True, nfire=True)
    for s in range(46, 50):
        stage(s, s % _NBUF, wbwait=True, nfire=False)
    drain_wb()
    drain_wb()


def kernel(input_ids, token_table):
    idx = input_ids.reshape(_NW, _NCH, _CH).astype(jnp.int32)
    out = _embed_gather(idx, token_table)
    return out.reshape(_B, _S, _H)

# --- scband reference (transcript-rebuilt; emitter-appended) ---
"""Pipeline reference for scband-combined-embedding-32263794327907 (READ-ONLY COPY).

The authoritative reference and input builder live on the scoring server;
editing this copy changes nothing except your own understanding.
"""

import jax, jax.numpy as jnp
import numpy as np

VOCAB = 100000
HIDDEN = 128
BATCH = 1024
SEQ = 200

def setup_inputs(seed: int = 0) -> dict:
    key = jax.random.key(seed)
    k_idx, k_tbl = jax.random.split(key)
    input_ids = jax.random.randint(k_idx, (BATCH, SEQ), 0, VOCAB, dtype=jnp.int64 if jax.config.jax_enable_x64 else jnp.int32)
    # learned token embedding table, init N(0, 0.1) as in _reset_parameters
    token_table = jax.random.normal(k_tbl, (VOCAB, HIDDEN), dtype=jnp.float32) * 0.1
    return {"input_ids": input_ids, "token_table": token_table}

def reference(input_ids, token_table):
    # TokenEmbedding: gather rows of the embedding table.
    # position_embedding and segment_embedding are disabled (None), so
    # embedding_proj is Identity and dropout (p=0.0) is a no-op.
    embeddings = jnp.take(token_table, input_ids, axis=0)
    return embeddings

if __name__ == "__main__":
    import jax
    _d = setup_inputs()
    print(jax.jit(kernel)(*tuple(_d.values())))

</pallas_src>

<mosaic_0001>
#map = affine_map<(d0, d1) -> (0, 0, 0)>
#map1 = affine_map<(d0, d1) -> (0, 0)>
module attributes {stable_mosaic.version = 14 : i64} {
  func.func @_embed_gather(%arg0: i32, %arg1: i32, %arg2: memref<32x50x128xi32, #tpu.memory_space<hbm>>, %arg3: memref<100000x128xf32, #tpu.memory_space<hbm>>, %arg4: memref<204800x128xf32, #tpu.memory_space<hbm>>, %arg5: memref<50x128xi32, #tpu.memory_space<vmem>>, %arg6: memref<6x128x128xf32, #tpu.memory_space<vmem>>, %arg7: memref<!tpu.dma_semaphore, #tpu.memory_space<semaphore_mem>>, %arg8: memref<!tpu.dma_semaphore, #tpu.memory_space<semaphore_mem>>) attributes {dimension_semantics = [#tpu.dimension_semantics<core_parallel>, #tpu.dimension_semantics<subcore_parallel>], iteration_bounds = array<i64: 2, 16>, scalar_prefetch = 0 : i64, scratch_operands = 4 : i64, tpu.core_type = #tpu.core_type<sc_vector_subcore>, window_params = [{transform_indices = #map}, {transform_indices = #map1}, {transform_indices = #map1}]} {
    %mul3A = arith.constant 2 : i32
    %mul3A_0 = arith.muli %arg1, %mul3A : i32
    %add3A = arith.addi %mul3A_0, %arg0 : i32
    %mul3A_1 = arith.constant 6400 : i32
    %mul3A_2 = arith.muli %add3A, %mul3A_1 : i32
    "tpu.region"() ({
      %run_scoped3A = tpu.sem_alloc : memref<!tpu.dma_semaphore, #tpu.memory_space<semaphore_mem>>
      %dma_start3A_461 = arith.constant 0 : i32
      %dma_start3A_462 = arith.constant 0 : i32
      %dma_start3A_463 = tpu.memref_slice %arg2[%add3A, %dma_start3A_461, %dma_start3A_462] : memref<32x50x128xi32, #tpu.memory_space<hbm>> -> memref<1x50x128xi32, #tpu.memory_space<hbm>>
      %dma_start3A_464 = tpu.memref_squeeze %dma_start3A_463 : memref<1x50x128xi32, #tpu.memory_space<hbm>> -> memref<50x128xi32, #tpu.memory_space<hbm>>
      %dma_start3A_465 = arith.constant 0 : i32
      %dma_start3A_466 = arith.constant 0 : i32
      %dma_start3A_467 = tpu.memref_slice %arg2[%add3A, %dma_start3A_465, %dma_start3A_466] : memref<32x50x128xi32, #tpu.memory_space<hbm>> -> memref<1x50x128xi32, #tpu.memory_space<hbm>>
      %dma_start3A_468 = tpu.memref_squeeze %dma_start3A_467 : memref<1x50x128xi32, #tpu.memory_space<hbm>> -> memref<50x128xi32, #tpu.memory_space<hbm>>
      tpu.enqueue_dma source(%dma_start3A_468 : memref<50x128xi32, #tpu.memory_space<hbm>>) target(%arg5 : memref<50x128xi32, #tpu.memory_space<vmem>>) target_semaphore(%run_scoped3A : memref<!tpu.dma_semaphore, #tpu.memory_space<semaphore_mem>>)
      %dma_wait3A_469 = arith.constant 0 : i32
      %dma_wait3A_470 = arith.constant 0 : i32
      %dma_wait3A_471 = tpu.memref_slice %arg2[%add3A, %dma_wait3A_469, %dma_wait3A_470] : memref<32x50x128xi32, #tpu.memory_space<hbm>> -> memref<1x50x128xi32, #tpu.memory_space<hbm>>
      %dma_wait3A_472 = tpu.memref_squeeze %dma_wait3A_471 : memref<1x50x128xi32, #tpu.memory_space<hbm>> -> memref<50x128xi32, #tpu.memory_space<hbm>>
      %dma_wait3A_473 = arith.constant 0 : i32
      %dma_wait3A_474 = arith.constant 0 : i32
      %dma_wait3A_475 = tpu.memref_slice %arg2[%add3A, %dma_wait3A_473, %dma_wait3A_474] : memref<32x50x128xi32, #tpu.memory_space<hbm>> -> memref<1x50x128xi32, #tpu.memory_space<hbm>>
      %dma_wait3A_476 = tpu.memref_squeeze %dma_wait3A_475 : memref<1x50x128xi32, #tpu.memory_space<hbm>> -> memref<50x128xi32, #tpu.memory_space<hbm>>
      tpu.wait_dma2 semaphore(%run_scoped3A : memref<!tpu.dma_semaphore, #tpu.memory_space<semaphore_mem>>) src(%dma_wait3A_476 : memref<50x128xi32, #tpu.memory_space<hbm>>) dst(%arg5 : memref<50x128xi32, #tpu.memory_space<vmem>>)
      tpu.yield
    }) : () -> ()
    %dma_start3A = arith.constant 0 : i32
    %dma_start3A_3 = arith.constant 0 : i32
    %dma_start3A_4 = arith.constant 0 : i32
    %dma_start3A_5 = arith.constant 0 : i32
    %dma_start3A_6 = tpu.memref_slice %arg6[%dma_start3A_3, %dma_start3A_4, %dma_start3A_5] : memref<6x128x128xf32, #tpu.memory_space<vmem>> -> memref<1x128x128xf32, #tpu.memory_space<vmem>>
    %dma_start3A_7 = tpu.memref_squeeze %dma_start3A_6 : memref<1x128x128xf32, #tpu.memory_space<vmem>> -> memref<128x128xf32, #tpu.memory_space<vmem>>
    %dma_start3A_8 = arith.constant 0 : i32
    %dma_start3A_9 = tpu.memref_slice %arg5[%dma_start3A, %dma_start3A_8] : memref<50x128xi32, #tpu.memory_space<vmem>> -> memref<1x128xi32, #tpu.memory_space<vmem>>
    %dma_start3A_10 = tpu.memref_squeeze %dma_start3A_9 : memref<1x128xi32, #tpu.memory_space<vmem>> -> memref<128xi32, #tpu.memory_space<vmem>>
    %dma_start3A_11 = arith.constant 0 : i32
    %dma_start3A_12 = arith.constant 0 : i32
    %dma_start3A_13 = tpu.memref_slice %arg3[%dma_start3A_11, %dma_start3A_12] : memref<100000x128xf32, #tpu.memory_space<hbm>> -> memref<100000x128xf32, #tpu.memory_space<hbm>>
    tpu.enqueue_indirect_dma source(%dma_start3A_13 : memref<100000x128xf32, #tpu.memory_space<hbm>>) target(%dma_start3A_7 : memref<128x128xf32, #tpu.memory_space<vmem>>) offsets(%dma_start3A_10 : memref<128xi32, #tpu.memory_space<vmem>>) semaphore(%arg7 : memref<!tpu.dma_semaphore, #tpu.memory_space<semaphore_mem>>)
    %dma_start3A_14 = arith.constant 1 : i32
    %dma_start3A_15 = arith.constant 1 : i32
    %dma_start3A_16 = arith.constant 0 : i32
    %dma_start3A_17 = arith.constant 0 : i32
    %dma_start3A_18 = tpu.memref_slice %arg6[%dma_start3A_15, %dma_start3A_16, %dma_start3A_17] : memref<6x128x128xf32, #tpu.memory_space<vmem>> -> memref<1x128x128xf32, #tpu.memory_space<vmem>>
    %dma_start3A_19 = tpu.memref_squeeze %dma_start3A_18 : memref<1x128x128xf32, #tpu.memory_space<vmem>> -> memref<128x128xf32, #tpu.memory_space<vmem>>
    %dma_start3A_20 = arith.constant 0 : i32
    %dma_start3A_21 = tpu.memref_slice %arg5[%dma_start3A_14, %dma_start3A_20] : memref<50x128xi32, #tpu.memory_space<vmem>> -> memref<1x128xi32, #tpu.memory_space<vmem>>
    %dma_start3A_22 = tpu.memref_squeeze %dma_start3A_21 : memref<1x128xi32, #tpu.memory_space<vmem>> -> memref<128xi32, #tpu.memory_space<vmem>>
    %dma_start3A_23 = arith.constant 0 : i32
    %dma_start3A_24 = arith.constant 0 : i32
    %dma_start3A_25 = tpu.memref_slice %arg3[%dma_start3A_23, %dma_start3A_24] : memref<100000x128xf32, #tpu.memory_space<hbm>> -> memref<100000x128xf32, #tpu.memory_space<hbm>>
    tpu.enqueue_indirect_dma source(%dma_start3A_25 : memref<100000x128xf32, #tpu.memory_space<hbm>>) target(%dma_start3A_19 : memref<128x128xf32, #tpu.memory_space<vmem>>) offsets(%dma_start3A_22 : memref<128xi32, #tpu.memory_space<vmem>>) semaphore(%arg7 : memref<!tpu.dma_semaphore, #tpu.memory_space<semaphore_mem>>)
    %dma_start3A_26 = arith.constant 2 : i32
    %dma_start3A_27 = arith.constant 2 : i32
    %dma_start3A_28 = arith.constant 0 : i32
    %dma_start3A_29 = arith.constant 0 : i32
    %dma_start3A_30 = tpu.memref_slice %arg6[%dma_start3A_27, %dma_start3A_28, %dma_start3A_29] : memref<6x128x128xf32, #tpu.memory_space<vmem>> -> memref<1x128x128xf32, #tpu.memory_space<vmem>>
    %dma_start3A_31 = tpu.memref_squeeze %dma_start3A_30 : memref<1x128x128xf32, #tpu.memory_space<vmem>> -> memref<128x128xf32, #tpu.memory_space<vmem>>
    %dma_start3A_32 = arith.constant 0 : i32
    %dma_start3A_33 = tpu.memref_slice %arg5[%dma_start3A_26, %dma_start3A_32] : memref<50x128xi32, #tpu.memory_space<vmem>> -> memref<1x128xi32, #tpu.memory_space<vmem>>
    %dma_start3A_34 = tpu.memref_squeeze %dma_start3A_33 : memref<1x128xi32, #tpu.memory_space<vmem>> -> memref<128xi32, #tpu.memory_space<vmem>>
    %dma_start3A_35 = arith.constant 0 : i32
    %dma_start3A_36 = arith.constant 0 : i32
    %dma_start3A_37 = tpu.memref_slice %arg3[%dma_start3A_35, %dma_start3A_36] : memref<100000x128xf32, #tpu.memory_space<hbm>> -> memref<100000x128xf32, #tpu.memory_space<hbm>>
    tpu.enqueue_indirect_dma source(%dma_start3A_37 : memref<100000x128xf32, #tpu.memory_space<hbm>>) target(%dma_start3A_31 : memref<128x128xf32, #tpu.memory_space<vmem>>) offsets(%dma_start3A_34 : memref<128xi32, #tpu.memory_space<vmem>>) semaphore(%arg7 : memref<!tpu.dma_semaphore, #tpu.memory_space<semaphore_mem>>)
    %dma_start3A_38 = arith.constant 3 : i32
    %dma_start3A_39 = arith.constant 3 : i32
    %dma_start3A_40 = arith.constant 0 : i32
    %dma_start3A_41 = arith.constant 0 : i32
    %dma_start3A_42 = tpu.memref_slice %arg6[%dma_start3A_39, %dma_start3A_40, %dma_start3A_41] : memref<6x128x128xf32, #tpu.memory_space<vmem>> -> memref<1x128x128xf32, #tpu.memory_space<vmem>>
    %dma_start3A_43 = tpu.memref_squeeze %dma_start3A_42 : memref<1x128x128xf32, #tpu.memory_space<vmem>> -> memref<128x128xf32, #tpu.memory_space<vmem>>
    %dma_start3A_44 = arith.constant 0 : i32
    %dma_start3A_45 = tpu.memref_slice %arg5[%dma_start3A_38, %dma_start3A_44] : memref<50x128xi32, #tpu.memory_space<vmem>> -> memref<1x128xi32, #tpu.memory_space<vmem>>
    %dma_start3A_46 = tpu.memref_squeeze %dma_start3A_45 : memref<1x128xi32, #tpu.memory_space<vmem>> -> memref<128xi32, #tpu.memory_space<vmem>>
    %dma_start3A_47 = arith.constant 0 : i32
    %dma_start3A_48 = arith.constant 0 : i32
    %dma_start3A_49 = tpu.memref_slice %arg3[%dma_start3A_47, %dma_start3A_48] : memref<100000x128xf32, #tpu.memory_space<hbm>> -> memref<100000x128xf32, #tpu.memory_space<hbm>>
    tpu.enqueue_indirect_dma source(%dma_start3A_49 : memref<100000x128xf32, #tpu.memory_space<hbm>>) target(%dma_start3A_43 : memref<128x128xf32, #tpu.memory_space<vmem>>) offsets(%dma_start3A_46 : memref<128xi32, #tpu.memory_space<vmem>>) semaphore(%arg7 : memref<!tpu.dma_semaphore, #tpu.memory_space<semaphore_mem>>)
    %dma_wait3A = arith.constant 0 : i32
    %dma_wait3A_50 = arith.constant 0 : i32
    %dma_wait3A_51 = arith.constant 0 : i32
    %dma_wait3A_52 = tpu.memref_slice %arg6[%dma_wait3A, %dma_wait3A_50, %dma_wait3A_51] : memref<6x128x128xf32, #tpu.memory_space<vmem>> -> memref<1x128x128xf32, #tpu.memory_space<vmem>>
    %dma_wait3A_53 = tpu.memref_squeeze %dma_wait3A_52 : memref<1x128x128xf32, #tpu.memory_space<vmem>> -> memref<128x128xf32, #tpu.memory_space<vmem>>
    %dma_wait3A_54 = arith.constant 0 : i32
    %dma_wait3A_55 = arith.constant 0 : i32
    %dma_wait3A_56 = tpu.memref_slice %arg3[%dma_wait3A_54, %dma_wait3A_55] : memref<100000x128xf32, #tpu.memory_space<hbm>> -> memref<128x128xf32, #tpu.memory_space<hbm>>
    %dma_wait3A_57 = arith.constant 0 : i32
    %dma_wait3A_58 = arith.constant 0 : i32
    %dma_wait3A_59 = tpu.memref_slice %arg6[%dma_wait3A, %dma_wait3A_57, %dma_wait3A_58] : memref<6x128x128xf32, #tpu.memory_space<vmem>> -> memref<1x128x128xf32, #tpu.memory_space<vmem>>
    %dma_wait3A_60 = tpu.memref_squeeze %dma_wait3A_59 : memref<1x128x128xf32, #tpu.memory_space<vmem>> -> memref<128x128xf32, #tpu.memory_space<vmem>>
    %dma_wait3A_61 = arith.constant 0 : i32
    %dma_wait3A_62 = arith.constant 0 : i32
    %dma_wait3A_63 = tpu.memref_slice %arg3[%dma_wait3A_61, %dma_wait3A_62] : memref<100000x128xf32, #tpu.memory_space<hbm>> -> memref<128x128xf32, #tpu.memory_space<hbm>>
    tpu.wait_dma2 semaphore(%arg7 : memref<!tpu.dma_semaphore, #tpu.memory_space<semaphore_mem>>) src(%dma_wait3A_63 : memref<128x128xf32, #tpu.memory_space<hbm>>) dst(%dma_wait3A_60 : memref<128x128xf32, #tpu.memory_space<vmem>>)
    %add3A_64 = arith.constant 0 : i32
    %add3A_65 = arith.addi %mul3A_2, %add3A_64 : i32
    %dma_start3A_66 = arith.constant 0 : i32
    %dma_start3A_67 = arith.constant 0 : i32
    %dma_start3A_68 = arith.constant 0 : i32
    %dma_start3A_69 = tpu.memref_slice %arg6[%dma_start3A_66, %dma_start3A_67, %dma_start3A_68] : memref<6x128x128xf32, #tpu.memory_space<vmem>> -> memref<1x128x128xf32, #tpu.memory_space<vmem>>
    %dma_start3A_70 = tpu.memref_squeeze %dma_start3A_69 : memref<1x128x128xf32, #tpu.memory_space<vmem>> -> memref<128x128xf32, #tpu.memory_space<vmem>>
    %dma_start3A_71 = arith.constant 0 : i32
    %dma_start3A_72 = tpu.memref_slice %arg4[%add3A_65, %dma_start3A_71] : memref<204800x128xf32, #tpu.memory_space<hbm>> -> memref<128x128xf32, #tpu.memory_space<hbm>>
    %dma_start3A_73 = arith.constant 0 : i32
    %dma_start3A_74 = tpu.memref_slice %arg4[%add3A_65, %dma_start3A_73] : memref<204800x128xf32, #tpu.memory_space<hbm>> -> memref<128x128xf32, #tpu.memory_space<hbm>>
    %dma_start3A_75 = arith.constant 0 : i32
    %dma_start3A_76 = arith.constant 0 : i32
    %dma_start3A_77 = tpu.memref_slice %arg6[%dma_start3A_66, %dma_start3A_75, %dma_start3A_76] : memref<6x128x128xf32, #tpu.memory_space<vmem>> -> memref<1x128x128xf32, #tpu.memory_space<vmem>>
    %dma_start3A_78 = tpu.memref_squeeze %dma_start3A_77 : memref<1x128x128xf32, #tpu.memory_space<vmem>> -> memref<128x128xf32, #tpu.memory_space<vmem>>
    tpu.enqueue_dma source(%dma_start3A_78 : memref<128x128xf32, #tpu.memory_space<vmem>>) target(%dma_start3A_74 : memref<128x128xf32, #tpu.memory_space<hbm>>) target_semaphore(%arg8 : memref<!tpu.dma_semaphore, #tpu.memory_space<semaphore_mem>>)
    %dma_start3A_79 = arith.constant 4 : i32
    %dma_start3A_80 = arith.constant 4 : i32
    %dma_start3A_81 = arith.constant 0 : i32
    %dma_start3A_82 = arith.constant 0 : i32
    %dma_start3A_83 = tpu.memref_slice %arg6[%dma_start3A_80, %dma_start3A_81, %dma_start3A_82] : memref<6x128x128xf32, #tpu.memory_space<vmem>> -> memref<1x128x128xf32, #tpu.memory_space<vmem>>
    %dma_start3A_84 = tpu.memref_squeeze %dma_start3A_83 : memref<1x128x128xf32, #tpu.memory_space<vmem>> -> memref<128x128xf32, #tpu.memory_space<vmem>>
    %dma_start3A_85 = arith.constant 0 : i32
    %dma_start3A_86 = tpu.memref_slice %arg5[%dma_start3A_79, %dma_start3A_85] : memref<50x128xi32, #tpu.memory_space<vmem>> -> memref<1x128xi32, #tpu.memory_space<vmem>>
    %dma_start3A_87 = tpu.memref_squeeze %dma_start3A_86 : memref<1x128xi32, #tpu.memory_space<vmem>> -> memref<128xi32, #tpu.memory_space<vmem>>
    %dma_start3A_88 = arith.constant 0 : i32
    %dma_start3A_89 = arith.constant 0 : i32
    %dma_start3A_90 = tpu.memref_slice %arg3[%dma_start3A_88, %dma_start3A_89] : memref<100000x128xf32, #tpu.memory_space<hbm>> -> memref<100000x128xf32, #tpu.memory_space<hbm>>
    tpu.enqueue_indirect_dma source(%dma_start3A_90 : memref<100000x128xf32, #tpu.memory_space<hbm>>) target(%dma_start3A_84 : memref<128x128xf32, #tpu.memory_space<vmem>>) offsets(%dma_start3A_87 : memref<128xi32, #tpu.memory_space<vmem>>) semaphore(%arg7 : memref<!tpu.dma_semaphore, #tpu.memory_space<semaphore_mem>>)
    %dma_wait3A_91 = arith.constant 1 : i32
    %dma_wait3A_92 = arith.constant 0 : i32
    %dma_wait3A_93 = arith.constant 0 : i32
    %dma_wait3A_94 = tpu.memref_slice %arg6[%dma_wait3A_91, %dma_wait3A_92, %dma_wait3A_93] : memref<6x128x128xf32, #tpu.memory_space<vmem>> -> memref<1x128x128xf32, #tpu.memory_space<vmem>>
    %dma_wait3A_95 = tpu.memref_squeeze %dma_wait3A_94 : memref<1x128x128xf32, #tpu.memory_space<vmem>> -> memref<128x128xf32, #tpu.memory_space<vmem>>
    %dma_wait3A_96 = arith.constant 0 : i32
    %dma_wait3A_97 = arith.constant 0 : i32
    %dma_wait3A_98 = tpu.memref_slice %arg3[%dma_wait3A_96, %dma_wait3A_97] : memref<100000x128xf32, #tpu.memory_space<hbm>> -> memref<128x128xf32, #tpu.memory_space<hbm>>
    %dma_wait3A_99 = arith.constant 0 : i32
    %dma_wait3A_100 = arith.constant 0 : i32
    %dma_wait3A_101 = tpu.memref_slice %arg6[%dma_wait3A_91, %dma_wait3A_99, %dma_wait3A_100] : memref<6x128x128xf32, #tpu.memory_space<vmem>> -> memref<1x128x128xf32, #tpu.memory_space<vmem>>
    %dma_wait3A_102 = tpu.memref_squeeze %dma_wait3A_101 : memref<1x128x128xf32, #tpu.memory_space<vmem>> -> memref<128x128xf32, #tpu.memory_space<vmem>>
    %dma_wait3A_103 = arith.constant 0 : i32
    %dma_wait3A_104 = arith.constant 0 : i32
    %dma_wait3A_105 = tpu.memref_slice %arg3[%dma_wait3A_103, %dma_wait3A_104] : memref<100000x128xf32, #tpu.memory_space<hbm>> -> memref<128x128xf32, #tpu.memory_space<hbm>>
    tpu.wait_dma2 semaphore(%arg7 : memref<!tpu.dma_semaphore, #tpu.memory_space<semaphore_mem>>) src(%dma_wait3A_105 : memref<128x128xf32, #tpu.memory_space<hbm>>) dst(%dma_wait3A_102 : memref<128x128xf32, #tpu.memory_space<vmem>>)
    %add3A_106 = arith.constant 128 : i32
    %add3A_107 = arith.addi %mul3A_2, %add3A_106 : i32
    %dma_start3A_108 = arith.constant 1 : i32
    %dma_start3A_109 = arith.constant 0 : i32
    %dma_start3A_110 = arith.constant 0 : i32
    %dma_start3A_111 = tpu.memref_slice %arg6[%dma_start3A_108, %dma_start3A_109, %dma_start3A_110] : memref<6x128x128xf32, #tpu.memory_space<vmem>> -> memref<1x128x128xf32, #tpu.memory_space<vmem>>
    %dma_start3A_112 = tpu.memref_squeeze %dma_start3A_111 : memref<1x128x128xf32, #tpu.memory_space<vmem>> -> memref<128x128xf32, #tpu.memory_space<vmem>>
    %dma_start3A_113 = arith.constant 0 : i32
    %dma_start3A_114 = tpu.memref_slice %arg4[%add3A_107, %dma_start3A_113] : memref<204800x128xf32, #tpu.memory_space<hbm>> -> memref<128x128xf32, #tpu.memory_space<hbm>>
    %dma_start3A_115 = arith.constant 0 : i32
    %dma_start3A_116 = tpu.memref_slice %arg4[%add3A_107, %dma_start3A_115] : memref<204800x128xf32, #tpu.memory_space<hbm>> -> memref<128x128xf32, #tpu.memory_space<hbm>>
    %dma_start3A_117 = arith.constant 0 : i32
    %dma_start3A_118 = arith.constant 0 : i32
    %dma_start3A_119 = tpu.memref_slice %arg6[%dma_start3A_108, %dma_start3A_117, %dma_start3A_118] : memref<6x128x128xf32, #tpu.memory_space<vmem>> -> memref<1x128x128xf32, #tpu.memory_space<vmem>>
    %dma_start3A_120 = tpu.memref_squeeze %dma_start3A_119 : memref<1x128x128xf32, #tpu.memory_space<vmem>> -> memref<128x128xf32, #tpu.memory_space<vmem>>
    tpu.enqueue_dma source(%dma_start3A_120 : memref<128x128xf32, #tpu.memory_space<vmem>>) target(%dma_start3A_116 : memref<128x128xf32, #tpu.memory_space<hbm>>) target_semaphore(%arg8 : memref<!tpu.dma_semaphore, #tpu.memory_space<semaphore_mem>>)
    %dma_start3A_121 = arith.constant 5 : i32
    %dma_start3A_122 = arith.constant 5 : i32
    %dma_start3A_123 = arith.constant 0 : i32
    %dma_start3A_124 = arith.constant 0 : i32
    %dma_start3A_125 = tpu.memref_slice %arg6[%dma_start3A_122, %dma_start3A_123, %dma_start3A_124] : memref<6x128x128xf32, #tpu.memory_space<vmem>> -> memref<1x128x128xf32, #tpu.memory_space<vmem>>
    %dma_start3A_126 = tpu.memref_squeeze %dma_start3A_125 : memref<1x128x128xf32, #tpu.memory_space<vmem>> -> memref<128x128xf32, #tpu.memory_space<vmem>>
    %dma_start3A_127 = arith.constant 0 : i32
    %dma_start3A_128 = tpu.memref_slice %arg5[%dma_start3A_121, %dma_start3A_127] : memref<50x128xi32, #tpu.memory_space<vmem>> -> memref<1x128xi32, #tpu.memory_space<vmem>>
    %dma_start3A_129 = tpu.memref_squeeze %dma_start3A_128 : memref<1x128xi32, #tpu.memory_space<vmem>> -> memref<128xi32, #tpu.memory_space<vmem>>
    %dma_start3A_130 = arith.constant 0 : i32
    %dma_start3A_131 = arith.constant 0 : i32
    %dma_start3A_132 = tpu.memref_slice %arg3[%dma_start3A_130, %dma_start3A_131] : memref<100000x128xf32, #tpu.memory_space<hbm>> -> memref<100000x128xf32, #tpu.memory_space<hbm>>
    tpu.enqueue_indirect_dma source(%dma_start3A_132 : memref<100000x128xf32, #tpu.memory_space<hbm>>) target(%dma_start3A_126 : memref<128x128xf32, #tpu.memory_space<vmem>>) offsets(%dma_start3A_129 : memref<128xi32, #tpu.memory_space<vmem>>) semaphore(%arg7 : memref<!tpu.dma_semaphore, #tpu.memory_space<semaphore_mem>>)
    %scan3A = arith.constant 0 : i32
    %scan3A_133 = arith.constant 7 : i32
    %scan3A_134 = arith.addi %scan3A, %scan3A_133 : i32
    %scan3A_135 = arith.constant 1 : i32
    scf.for %scan3A_461 = %scan3A to %scan3A_134 step %scan3A_135  : i32 {
      %mul3A_462 = arith.constant 6 : i32
      %mul3A_463 = arith.muli %scan3A_461, %mul3A_462 : i32
      %add3A_464 = arith.constant 2 : i32
      %add3A_465 = arith.addi %add3A_464, %mul3A_463 : i32
      %add3A_466 = arith.constant 0 : i32
      %add3A_467 = arith.addi %add3A_465, %add3A_466 : i32
      %dma_wait3A_468 = arith.constant 2 : i32
      %dma_wait3A_469 = arith.constant 0 : i32
      %dma_wait3A_470 = arith.constant 0 : i32
      %dma_wait3A_471 = tpu.memref_slice %arg6[%dma_wait3A_468, %dma_wait3A_469, %dma_wait3A_470] : memref<6x128x128xf32, #tpu.memory_space<vmem>> -> memref<1x128x128xf32, #tpu.memory_space<vmem>>
      %dma_wait3A_472 = tpu.memref_squeeze %dma_wait3A_471 : memref<1x128x128xf32, #tpu.memory_space<vmem>> -> memref<128x128xf32, #tpu.memory_space<vmem>>
      %dma_wait3A_473 = arith.constant 0 : i32
      %dma_wait3A_474 = arith.constant 0 : i32
      %dma_wait3A_475 = tpu.memref_slice %arg3[%dma_wait3A_473, %dma_wait3A_474] : memref<100000x128xf32, #tpu.memory_space<hbm>> -> memref<128x128xf32, #tpu.memory_space<hbm>>
      %dma_wait3A_476 = arith.constant 0 : i32
      %dma_wait3A_477 = arith.constant 0 : i32
      %dma_wait3A_478 = tpu.memref_slice %arg6[%dma_wait3A_468, %dma_wait3A_476, %dma_wait3A_477] : memref<6x128x128xf32, #tpu.memory_space<vmem>> -> memref<1x128x128xf32, #tpu.memory_space<vmem>>
      %dma_wait3A_479 = tpu.memref_squeeze %dma_wait3A_478 : memref<1x128x128xf32, #tpu.memory_space<vmem>> -> memref<128x128xf32, #tpu.memory_space<vmem>>
      %dma_wait3A_480 = arith.constant 0 : i32
      %dma_wait3A_481 = arith.constant 0 : i32
      %dma_wait3A_482 = tpu.memref_slice %arg3[%dma_wait3A_480, %dma_wait3A_481] : memref<100000x128xf32, #tpu.memory_space<hbm>> -> memref<128x128xf32, #tpu.memory_space<hbm>>
      tpu.wait_dma2 semaphore(%arg7 : memref<!tpu.dma_semaphore, #tpu.memory_space<semaphore_mem>>) src(%dma_wait3A_482 : memref<128x128xf32, #tpu.memory_space<hbm>>) dst(%dma_wait3A_479 : memref<128x128xf32, #tpu.memory_space<vmem>>)
      %dma_wait3A_483 = arith.constant 0 : i32
      %dma_wait3A_484 = arith.constant 0 : i32
      %dma_wait3A_485 = arith.constant 0 : i32
      %dma_wait3A_486 = tpu.memref_slice %arg6[%dma_wait3A_483, %dma_wait3A_484, %dma_wait3A_485] : memref<6x128x128xf32, #tpu.memory_space<vmem>> -> memref<1x128x128xf32, #tpu.memory_space<vmem>>
      %dma_wait3A_487 = tpu.memref_squeeze %dma_wait3A_486 : memref<1x128x128xf32, #tpu.memory_space<vmem>> -> memref<128x128xf32, #tpu.memory_space<vmem>>
      %dma_wait3A_488 = arith.constant 0 : i32
      %dma_wait3A_489 = arith.constant 0 : i32
      %dma_wait3A_490 = tpu.memref_slice %arg4[%dma_wait3A_488, %dma_wait3A_489] : memref<204800x128xf32, #tpu.memory_space<hbm>> -> memref<128x128xf32, #tpu.memory_space<hbm>>
      %dma_wait3A_491 = arith.constant 0 : i32
      %dma_wait3A_492 = arith.constant 0 : i32
      %dma_wait3A_493 = tpu.memref_slice %arg4[%dma_wait3A_491, %dma_wait3A_492] : memref<204800x128xf32, #tpu.memory_space<hbm>> -> memref<128x128xf32, #tpu.memory_space<hbm>>
      %dma_wait3A_494 = arith.constant 0 : i32
      %dma_wait3A_495 = arith.constant 0 : i32
      %dma_wait3A_496 = tpu.memref_slice %arg6[%dma_wait3A_483, %dma_wait3A_494, %dma_wait3A_495] : memref<6x128x128xf32, #tpu.memory_space<vmem>> -> memref<1x128x128xf32, #tpu.memory_space<vmem>>
      %dma_wait3A_497 = tpu.memref_squeeze %dma_wait3A_496 : memref<1x128x128xf32, #tpu.memory_space<vmem>> -> memref<128x128xf32, #tpu.memory_space<vmem>>
      tpu.wait_dma2 semaphore(%arg8 : memref<!tpu.dma_semaphore, #tpu.memory_space<semaphore_mem>>) src(%dma_wait3A_497 : memref<128x128xf32, #tpu.memory_space<vmem>>) dst(%dma_wait3A_493 : memref<128x128xf32, #tpu.memory_space<hbm>>)
      %mul3A_498 = arith.constant 128 : i32
      %mul3A_499 = arith.muli %add3A_467, %mul3A_498 : i32
      %add3A_500 = arith.addi %mul3A_2, %mul3A_499 : i32
      %dma_start3A_501 = arith.constant 2 : i32
      %dma_start3A_502 = arith.constant 0 : i32
      %dma_start3A_503 = arith.constant 0 : i32
      %dma_start3A_504 = tpu.memref_slice %arg6[%dma_start3A_501, %dma_start3A_502, %dma_start3A_503] : memref<6x128x128xf32, #tpu.memory_space<vmem>> -> memref<1x128x128xf32, #tpu.memory_space<vmem>>
      %dma_start3A_505 = tpu.memref_squeeze %dma_start3A_504 : memref<1x128x128xf32, #tpu.memory_space<vmem>> -> memref<128x128xf32, #tpu.memory_space<vmem>>
      %dma_start3A_506 = arith.constant 0 : i32
      %dma_start3A_507 = tpu.memref_slice %arg4[%add3A_500, %dma_start3A_506] : memref<204800x128xf32, #tpu.memory_space<hbm>> -> memref<128x128xf32, #tpu.memory_space<hbm>>
      %dma_start3A_508 = arith.constant 0 : i32
      %dma_start3A_509 = tpu.memref_slice %arg4[%add3A_500, %dma_start3A_508] : memref<204800x128xf32, #tpu.memory_space<hbm>> -> memref<128x128xf32, #tpu.memory_space<hbm>>
      %dma_start3A_510 = arith.constant 0 : i32
      %dma_start3A_511 = arith.constant 0 : i32
      %dma_start3A_512 = tpu.memref_slice %arg6[%dma_start3A_501, %dma_start3A_510, %dma_start3A_511] : memref<6x128x128xf32, #tpu.memory_space<vmem>> -> memref<1x128x128xf32, #tpu.memory_space<vmem>>
      %dma_start3A_513 = tpu.memref_squeeze %dma_start3A_512 : memref<1x128x128xf32, #tpu.memory_space<vmem>> -> memref<128x128xf32, #tpu.memory_space<vmem>>
      tpu.enqueue_dma source(%dma_start3A_513 : memref<128x128xf32, #tpu.memory_space<vmem>>) target(%dma_start3A_509 : memref<128x128xf32, #tpu.memory_space<hbm>>) target_semaphore(%arg8 : memref<!tpu.dma_semaphore, #tpu.memory_space<semaphore_mem>>)
      %add3A_514 = arith.constant 4 : i32
      %add3A_515 = arith.addi %add3A_467, %add3A_514 : i32
      %dma_start3A_516 = arith.constant 0 : i32
      %dma_start3A_517 = arith.constant 0 : i32
      %dma_start3A_518 = arith.constant 0 : i32
      %dma_start3A_519 = tpu.memref_slice %arg6[%dma_start3A_516, %dma_start3A_517, %dma_start3A_518] : memref<6x128x128xf32, #tpu.memory_space<vmem>> -> memref<1x128x128xf32, #tpu.memory_space<vmem>>
      %dma_start3A_520 = tpu.memref_squeeze %dma_start3A_519 : memref<1x128x128xf32, #tpu.memory_space<vmem>> -> memref<128x128xf32, #tpu.memory_space<vmem>>
      %dma_start3A_521 = arith.constant 0 : i32
      %dma_start3A_522 = tpu.memref_slice %arg5[%add3A_515, %dma_start3A_521] : memref<50x128xi32, #tpu.memory_space<vmem>> -> memref<1x128xi32, #tpu.memory_space<vmem>>
      %dma_start3A_523 = tpu.memref_squeeze %dma_start3A_522 : memref<1x128xi32, #tpu.memory_space<vmem>> -> memref<128xi32, #tpu.memory_space<vmem>>
      %dma_start3A_524 = arith.constant 0 : i32
      %dma_start3A_525 = arith.constant 0 : i32
      %dma_start3A_526 = tpu.memref_slice %arg3[%dma_start3A_524, %dma_start3A_525] : memref<100000x128xf32, #tpu.memory_space<hbm>> -> memref<100000x128xf32, #tpu.memory_space<hbm>>
      tpu.enqueue_indirect_dma source(%dma_start3A_526 : memref<100000x128xf32, #tpu.memory_space<hbm>>) target(%dma_start3A_520 : memref<128x128xf32, #tpu.memory_space<vmem>>) offsets(%dma_start3A_523 : memref<128xi32, #tpu.memory_space<vmem>>) semaphore(%arg7 : memref<!tpu.dma_semaphore, #tpu.memory_space<semaphore_mem>>)
      %add3A_527 = arith.constant 1 : i32
      %add3A_528 = arith.addi %add3A_465, %add3A_527 : i32
      %dma_wait3A_529 = arith.constant 3 : i32
      %dma_wait3A_530 = arith.constant 0 : i32
      %dma_wait3A_531 = arith.constant 0 : i32
      %dma_wait3A_532 = tpu.memref_slice %arg6[%dma_wait3A_529, %dma_wait3A_530, %dma_wait3A_531] : memref<6x128x128xf32, #tpu.memory_space<vmem>> -> memref<1x128x128xf32, #tpu.memory_space<vmem>>
      %dma_wait3A_533 = tpu.memref_squeeze %dma_wait3A_532 : memref<1x128x128xf32, #tpu.memory_space<vmem>> -> memref<128x128xf32, #tpu.memory_space<vmem>>
      %dma_wait3A_534 = arith.constant 0 : i32
      %dma_wait3A_535 = arith.constant 0 : i32
      %dma_wait3A_536 = tpu.memref_slice %arg3[%dma_wait3A_534, %dma_wait3A_535] : memref<100000x128xf32, #tpu.memory_space<hbm>> -> memref<128x128xf32, #tpu.memory_space<hbm>>
      %dma_wait3A_537 = arith.constant 0 : i32
      %dma_wait3A_538 = arith.constant 0 : i32
      %dma_wait3A_539 = tpu.memref_slice %arg6[%dma_wait3A_529, %dma_wait3A_537, %dma_wait3A_538] : memref<6x128x128xf32, #tpu.memory_space<vmem>> -> memref<1x128x128xf32, #tpu.memory_space<vmem>>
      %dma_wait3A_540 = tpu.memref_squeeze %dma_wait3A_539 : memref<1x128x128xf32, #tpu.memory_space<vmem>> -> memref<128x128xf32, #tpu.memory_space<vmem>>
      %dma_wait3A_541 = arith.constant 0 : i32
      %dma_wait3A_542 = arith.constant 0 : i32
      %dma_wait3A_543 = tpu.memref_slice %arg3[%dma_wait3A_541, %dma_wait3A_542] : memref<100000x128xf32, #tpu.memory_space<hbm>> -> memref<128x128xf32, #tpu.memory_space<hbm>>
      tpu.wait_dma2 semaphore(%arg7 : memref<!tpu.dma_semaphore, #tpu.memory_space<semaphore_mem>>) src(%dma_wait3A_543 : memref<128x128xf32, #tpu.memory_space<hbm>>) dst(%dma_wait3A_540 : memref<128x128xf32, #tpu.memory_space<vmem>>)
      %dma_wait3A_544 = arith.constant 0 : i32
      %dma_wait3A_545 = arith.constant 0 : i32
      %dma_wait3A_546 = arith.constant 0 : i32
      %dma_wait3A_547 = tpu.memref_slice %arg6[%dma_wait3A_544, %dma_wait3A_545, %dma_wait3A_546] : memref<6x128x128xf32, #tpu.memory_space<vmem>> -> memref<1x128x128xf32, #tpu.memory_space<vmem>>
      %dma_wait3A_548 = tpu.memref_squeeze %dma_wait3A_547 : memref<1x128x128xf32, #tpu.memory_space<vmem>> -> memref<128x128xf32, #tpu.memory_space<vmem>>
      %dma_wait3A_549 = arith.constant 0 : i32
      %dma_wait3A_550 = arith.constant 0 : i32
      %dma_wait3A_551 = tpu.memref_slice %arg4[%dma_wait3A_549, %dma_wait3A_550] : memref<204800x128xf32, #tpu.memory_space<hbm>> -> memref<128x128xf32, #tpu.memory_space<hbm>>
      %dma_wait3A_552 = arith.constant 0 : i32
      %dma_wait3A_553 = arith.constant 0 : i32
      %dma_wait3A_554 = tpu.memref_slice %arg4[%dma_wait3A_552, %dma_wait3A_553] : memref<204800x128xf32, #tpu.memory_space<hbm>> -> memref<128x128xf32, #tpu.memory_space<hbm>>
      %dma_wait3A_555 = arith.constant 0 : i32
      %dma_wait3A_556 = arith.constant 0 : i32
      %dma_wait3A_557 = tpu.memref_slice %arg6[%dma_wait3A_544, %dma_wait3A_555, %dma_wait3A_556] : memref<6x128x128xf32, #tpu.memory_space<vmem>> -> memref<1x128x128xf32, #tpu.memory_space<vmem>>
      %dma_wait3A_558 = tpu.memref_squeeze %dma_wait3A_557 : memref<1x128x128xf32, #tpu.memory_space<vmem>> -> memref<128x128xf32, #tpu.memory_space<vmem>>
      tpu.wait_dma2 semaphore(%arg8 : memref<!tpu.dma_semaphore, #tpu.memory_space<semaphore_mem>>) src(%dma_wait3A_558 : memref<128x128xf32, #tpu.memory_space<vmem>>) dst(%dma_wait3A_554 : memref<128x128xf32, #tpu.memory_space<hbm>>)
      %mul3A_559 = arith.constant 128 : i32
      %mul3A_560 = arith.muli %add3A_528, %mul3A_559 : i32
      %add3A_561 = arith.addi %mul3A_2, %mul3A_560 : i32
      %dma_start3A_562 = arith.constant 3 : i32
      %dma_start3A_563 = arith.constant 0 : i32
      %dma_start3A_564 = arith.constant 0 : i32
      %dma_start3A_565 = tpu.memref_slice %arg6[%dma_start3A_562, %dma_start3A_563, %dma_start3A_564] : memref<6x128x128xf32, #tpu.memory_space<vmem>> -> memref<1x128x128xf32, #tpu.memory_space<vmem>>
      %dma_start3A_566 = tpu.memref_squeeze %dma_start3A_565 : memref<1x128x128xf32, #tpu.memory_space<vmem>> -> memref<128x128xf32, #tpu.memory_space<vmem>>
      %dma_start3A_567 = arith.constant 0 : i32
      %dma_start3A_568 = tpu.memref_slice %arg4[%add3A_561, %dma_start3A_567] : memref<204800x128xf32, #tpu.memory_space<hbm>> -> memref<128x128xf32, #tpu.memory_space<hbm>>
      %dma_start3A_569 = arith.constant 0 : i32
      %dma_start3A_570 = tpu.memref_slice %arg4[%add3A_561, %dma_start3A_569] : memref<204800x128xf32, #tpu.memory_space<hbm>> -> memref<128x128xf32, #tpu.memory_space<hbm>>
      %dma_start3A_571 = arith.constant 0 : i32
      %dma_start3A_572 = arith.constant 0 : i32
      %dma_start3A_573 = tpu.memref_slice %arg6[%dma_start3A_562, %dma_start3A_571, %dma_start3A_572] : memref<6x128x128xf32, #tpu.memory_space<vmem>> -> memref<1x128x128xf32, #tpu.memory_space<vmem>>
      %dma_start3A_574 = tpu.memref_squeeze %dma_start3A_573 : memref<1x128x128xf32, #tpu.memory_space<vmem>> -> memref<128x128xf32, #tpu.memory_space<vmem>>
      tpu.enqueue_dma source(%dma_start3A_574 : memref<128x128xf32, #tpu.memory_space<vmem>>) target(%dma_start3A_570 : memref<128x128xf32, #tpu.memory_space<hbm>>) target_semaphore(%arg8 : memref<!tpu.dma_semaphore, #tpu.memory_space<semaphore_mem>>)
      %add3A_575 = arith.constant 4 : i32
      %add3A_576 = arith.addi %add3A_528, %add3A_575 : i32
      %dma_start3A_577 = arith.constant 1 : i32
      %dma_start3A_578 = arith.constant 0 : i32
      %dma_start3A_579 = arith.constant 0 : i32
      %dma_start3A_580 = tpu.memref_slice %arg6[%dma_start3A_577, %dma_start3A_578, %dma_start3A_579] : memref<6x128x128xf32, #tpu.memory_space<vmem>> -> memref<1x128x128xf32, #tpu.memory_space<vmem>>
      %dma_start3A_581 = tpu.memref_squeeze %dma_start3A_580 : memref<1x128x128xf32, #tpu.memory_space<vmem>> -> memref<128x128xf32, #tpu.memory_space<vmem>>
      %dma_start3A_582 = arith.constant 0 : i32
      %dma_start3A_583 = tpu.memref_slice %arg5[%add3A_576, %dma_start3A_582] : memref<50x128xi32, #tpu.memory_space<vmem>> -> memref<1x128xi32, #tpu.memory_space<vmem>>
      %dma_start3A_584 = tpu.memref_squeeze %dma_start3A_583 : memref<1x128xi32, #tpu.memory_space<vmem>> -> memref<128xi32, #tpu.memory_space<vmem>>
      %dma_start3A_585 = arith.constant 0 : i32
      %dma_start3A_586 = arith.constant 0 : i32
      %dma_start3A_587 = tpu.memref_slice %arg3[%dma_start3A_585, %dma_start3A_586] : memref<100000x128xf32, #tpu.memory_space<hbm>> -> memref<100000x128xf32, #tpu.memory_space<hbm>>
      tpu.enqueue_indirect_dma source(%dma_start3A_587 : memref<100000x128xf32, #tpu.memory_space<hbm>>) target(%dma_start3A_581 : memref<128x128xf32, #tpu.memory_space<vmem>>) offsets(%dma_start3A_584 : memref<128xi32, #tpu.memory_space<vmem>>) semaphore(%arg7 : memref<!tpu.dma_semaphore, #tpu.memory_space<semaphore_mem>>)
      %add3A_588 = arith.constant 2 : i32
      %add3A_589 = arith.addi %add3A_465, %add3A_588 : i32
      %dma_wait3A_590 = arith.constant 4 : i32
      %dma_wait3A_591 = arith.constant 0 : i32
      %dma_wait3A_592 = arith.constant 0 : i32
      %dma_wait3A_593 = tpu.memref_slice %arg6[%dma_wait3A_590, %dma_wait3A_591, %dma_wait3A_592] : memref<6x128x128xf32, #tpu.memory_space<vmem>> -> memref<1x128x128xf32, #tpu.memory_space<vmem>>
      %dma_wait3A_594 = tpu.memref_squeeze %dma_wait3A_593 : memref<1x128x128xf32, #tpu.memory_space<vmem>> -> memref<128x128xf32, #tpu.memory_space<vmem>>
      %dma_wait3A_595 = arith.constant 0 : i32
      %dma_wait3A_596 = arith.constant 0 : i32
      %dma_wait3A_597 = tpu.memref_slice %arg3[%dma_wait3A_595, %dma_wait3A_596] : memref<100000x128xf32, #tpu.memory_space<hbm>> -> memref<128x128xf32, #tpu.memory_space<hbm>>
      %dma_wait3A_598 = arith.constant 0 : i32
      %dma_wait3A_599 = arith.constant 0 : i32
      %dma_wait3A_600 = tpu.memref_slice %arg6[%dma_wait3A_590, %dma_wait3A_598, %dma_wait3A_599] : memref<6x128x128xf32, #tpu.memory_space<vmem>> -> memref<1x128x128xf32, #tpu.memory_space<vmem>>
      %dma_wait3A_601 = tpu.memref_squeeze %dma_wait3A_600 : memref<1x128x128xf32, #tpu.memory_space<vmem>> -> memref<128x128xf32, #tpu.memory_space<vmem>>
      %dma_wait3A_602 = arith.constant 0 : i32
      %dma_wait3A_603 = arith.constant 0 : i32
      %dma_wait3A_604 = tpu.memref_slice %arg3[%dma_wait3A_602, %dma_wait3A_603] : memref<100000x128xf32, #tpu.memory_space<hbm>> -> memref<128x128xf32, #tpu.memory_space<hbm>>
      tpu.wait_dma2 semaphore(%arg7 : memref<!tpu.dma_semaphore, #tpu.memory_space<semaphore_mem>>) src(%dma_wait3A_604 : memref<128x128xf32, #tpu.memory_space<hbm>>) dst(%dma_wait3A_601 : memref<128x128xf32, #tpu.memory_space<vmem>>)
      %dma_wait3A_605 = arith.constant 0 : i32
      %dma_wait3A_606 = arith.constant 0 : i32
      %dma_wait3A_607 = arith.constant 0 : i32
      %dma_wait3A_608 = tpu.memref_slice %arg6[%dma_wait3A_605, %dma_wait3A_606, %dma_wait3A_607] : memref<6x128x128xf32, #tpu.memory_space<vmem>> -> memref<1x128x128xf32, #tpu.memory_space<vmem>>
      %dma_wait3A_609 = tpu.memref_squeeze %dma_wait3A_608 : memref<1x128x128xf32, #tpu.memory_space<vmem>> -> memref<128x128xf32, #tpu.memory_space<vmem>>
      %dma_wait3A_610 = arith.constant 0 : i32
      %dma_wait3A_611 = arith.constant 0 : i32
      %dma_wait3A_612 = tpu.memref_slice %arg4[%dma_wait3A_610, %dma_wait3A_611] : memref<204800x128xf32, #tpu.memory_space<hbm>> -> memref<128x128xf32, #tpu.memory_space<hbm>>
      %dma_wait3A_613 = arith.constant 0 : i32
      %dma_wait3A_614 = arith.constant 0 : i32
      %dma_wait3A_615 = tpu.memref_slice %arg4[%dma_wait3A_613, %dma_wait3A_614] : memref<204800x128xf32, #tpu.memory_space<hbm>> -> memref<128x128xf32, #tpu.memory_space<hbm>>
      %dma_wait3A_616 = arith.constant 0 : i32
      %dma_wait3A_617 = arith.constant 0 : i32
      %dma_wait3A_618 = tpu.memref_slice %arg6[%dma_wait3A_605, %dma_wait3A_616, %dma_wait3A_617] : memref<6x128x128xf32, #tpu.memory_space<vmem>> -> memref<1x128x128xf32, #tpu.memory_space<vmem>>
      %dma_wait3A_619 = tpu.memref_squeeze %dma_wait3A_618 : memref<1x128x128xf32, #tpu.memory_space<vmem>> -> memref<128x128xf32, #tpu.memory_space<vmem>>
      tpu.wait_dma2 semaphore(%arg8 : memref<!tpu.dma_semaphore, #tpu.memory_space<semaphore_mem>>) src(%dma_wait3A_619 : memref<128x128xf32, #tpu.memory_space<vmem>>) dst(%dma_wait3A_615 : memref<128x128xf32, #tpu.memory_space<hbm>>)
      %mul3A_620 = arith.constant 128 : i32
      %mul3A_621 = arith.muli %add3A_589, %mul3A_620 : i32
      %add3A_622 = arith.addi %mul3A_2, %mul3A_621 : i32
      %dma_start3A_623 = arith.constant 4 : i32
      %dma_start3A_624 = arith.constant 0 : i32
      %dma_start3A_625 = arith.constant 0 : i32
      %dma_start3A_626 = tpu.memref_slice %arg6[%dma_start3A_623, %dma_start3A_624, %dma_start3A_625] : memref<6x128x128xf32, #tpu.memory_space<vmem>> -> memref<1x128x128xf32, #tpu.memory_space<vmem>>
      %dma_start3A_627 = tpu.memref_squeeze %dma_start3A_626 : memref<1x128x128xf32, #tpu.memory_space<vmem>> -> memref<128x128xf32, #tpu.memory_space<vmem>>
      %dma_start3A_628 = arith.constant 0 : i32
      %dma_start3A_629 = tpu.memref_slice %arg4[%add3A_622, %dma_start3A_628] : memref<204800x128xf32, #tpu.memory_space<hbm>> -> memref<128x128xf32, #tpu.memory_space<hbm>>
      %dma_start3A_630 = arith.constant 0 : i32
      %dma_start3A_631 = tpu.memref_slice %arg4[%add3A_622, %dma_start3A_630] : memref<204800x128xf32, #tpu.memory_space<hbm>> -> memref<128x128xf32, #tpu.memory_space<hbm>>
      %dma_start3A_632 = arith.constant 0 : i32
      %dma_start3A_633 = arith.constant 0 : i32
      %dma_start3A_634 = tpu.memref_slice %arg6[%dma_start3A_623, %dma_start3A_632, %dma_start3A_633] : memref<6x128x128xf32, #tpu.memory_space<vmem>> -> memref<1x128x128xf32, #tpu.memory_space<vmem>>
      %dma_start3A_635 = tpu.memref_squeeze %dma_start3A_634 : memref<1x128x128xf32, #tpu.memory_space<vmem>> -> memref<128x128xf32, #tpu.memory_space<vmem>>
      tpu.enqueue_dma source(%dma_start3A_635 : memref<128x128xf32, #tpu.memory_space<vmem>>) target(%dma_start3A_631 : memref<128x128xf32, #tpu.memory_space<hbm>>) target_semaphore(%arg8 : memref<!tpu.dma_semaphore, #tpu.memory_space<semaphore_mem>>)
      %add3A_636 = arith.constant 4 : i32
      %add3A_637 = arith.addi %add3A_589, %add3A_636 : i32
      %dma_start3A_638 = arith.constant 2 : i32
      %dma_start3A_639 = arith.constant 0 : i32
      %dma_start3A_640 = arith.constant 0 : i32
      %dma_start3A_641 = tpu.memref_slice %arg6[%dma_start3A_638, %dma_start3A_639, %dma_start3A_640] : memref<6x128x128xf32, #tpu.memory_space<vmem>> -> memref<1x128x128xf32, #tpu.memory_space<vmem>>
      %dma_start3A_642 = tpu.memref_squeeze %dma_start3A_641 : memref<1x128x128xf32, #tpu.memory_space<vmem>> -> memref<128x128xf32, #tpu.memory_space<vmem>>
      %dma_start3A_643 = arith.constant 0 : i32
      %dma_start3A_644 = tpu.memref_slice %arg5[%add3A_637, %dma_start3A_643] : memref<50x128xi32, #tpu.memory_space<vmem>> -> memref<1x128xi32, #tpu.memory_space<vmem>>
      %dma_start3A_645 = tpu.memref_squeeze %dma_start3A_644 : memref<1x128xi32, #tpu.memory_space<vmem>> -> memref<128xi32, #tpu.memory_space<vmem>>
      %dma_start3A_646 = arith.constant 0 : i32
      %dma_start3A_647 = arith.constant 0 : i32
      %dma_start3A_648 = tpu.memref_slice %arg3[%dma_start3A_646, %dma_start3A_647] : memref<100000x128xf32, #tpu.memory_space<hbm>> -> memref<100000x128xf32, #tpu.memory_space<hbm>>
      tpu.enqueue_indirect_dma source(%dma_start3A_648 : memref<100000x128xf32, #tpu.memory_space<hbm>>) target(%dma_start3A_642 : memref<128x128xf32, #tpu.memory_space<vmem>>) offsets(%dma_start3A_645 : memref<128xi32, #tpu.memory_space<vmem>>) semaphore(%arg7 : memref<!tpu.dma_semaphore, #tpu.memory_space<semaphore_mem>>)
      %add3A_649 = arith.constant 3 : i32
      %add3A_650 = arith.addi %add3A_465, %add3A_649 : i32
      %dma_wait3A_651 = arith.constant 5 : i32
      %dma_wait3A_652 = arith.constant 0 : i32
      %dma_wait3A_653 = arith.constant 0 : i32
      %dma_wait3A_654 = tpu.memref_slice %arg6[%dma_wait3A_651, %dma_wait3A_652, %dma_wait3A_653] : memref<6x128x128xf32, #tpu.memory_space<vmem>> -> memref<1x128x128xf32, #tpu.memory_space<vmem>>
      %dma_wait3A_655 = tpu.memref_squeeze %dma_wait3A_654 : memref<1x128x128xf32, #tpu.memory_space<vmem>> -> memref<128x128xf32, #tpu.memory_space<vmem>>
      %dma_wait3A_656 = arith.constant 0 : i32
      %dma_wait3A_657 = arith.constant 0 : i32
      %dma_wait3A_658 = tpu.memref_slice %arg3[%dma_wait3A_656, %dma_wait3A_657] : memref<100000x128xf32, #tpu.memory_space<hbm>> -> memref<128x128xf32, #tpu.memory_space<hbm>>
      %dma_wait3A_659 = arith.constant 0 : i32
      %dma_wait3A_660 = arith.constant 0 : i32
      %dma_wait3A_661 = tpu.memref_slice %arg6[%dma_wait3A_651, %dma_wait3A_659, %dma_wait3A_660] : memref<6x128x128xf32, #tpu.memory_space<vmem>> -> memref<1x128x128xf32, #tpu.memory_space<vmem>>
      %dma_wait3A_662 = tpu.memref_squeeze %dma_wait3A_661 : memref<1x128x128xf32, #tpu.memory_space<vmem>> -> memref<128x128xf32, #tpu.memory_space<vmem>>
      %dma_wait3A_663 = arith.constant 0 : i32
      %dma_wait3A_664 = arith.constant 0 : i32
      %dma_wait3A_665 = tpu.memref_slice %arg3[%dma_wait3A_663, %dma_wait3A_664] : memref<100000x128xf32, #tpu.memory_space<hbm>> -> memref<128x128xf32, #tpu.memory_space<hbm>>
      tpu.wait_dma2 semaphore(%arg7 : memref<!tpu.dma_semaphore, #tpu.memory_space<semaphore_mem>>) src(%dma_wait3A_665 : memref<128x128xf32, #tpu.memory_space<hbm>>) dst(%dma_wait3A_662 : memref<128x128xf32, #tpu.memory_space<vmem>>)
      %dma_wait3A_666 = arith.constant 0 : i32
      %dma_wait3A_667 = arith.constant 0 : i32
      %dma_wait3A_668 = arith.constant 0 : i32
      %dma_wait3A_669 = tpu.memref_slice %arg6[%dma_wait3A_666, %dma_wait3A_667, %dma_wait3A_668] : memref<6x128x128xf32, #tpu.memory_space<vmem>> -> memref<1x128x128xf32, #tpu.memory_space<vmem>>
      %dma_wait3A_670 = tpu.memref_squeeze %dma_wait3A_669 : memref<1x128x128xf32, #tpu.memory_space<vmem>> -> memref<128x128xf32, #tpu.memory_space<vmem>>
      %dma_wait3A_671 = arith.constant 0 : i32
      %dma_wait3A_672 = arith.constant 0 : i32
      %dma_wait3A_673 = tpu.memref_slice %arg4[%dma_wait3A_671, %dma_wait3A_672] : memref<204800x128xf32, #tpu.memory_space<hbm>> -> memref<128x128xf32, #tpu.memory_space<hbm>>
      %dma_wait3A_674 = arith.constant 0 : i32
      %dma_wait3A_675 = arith.constant 0 : i32
      %dma_wait3A_676 = tpu.memref_slice %arg4[%dma_wait3A_674, %dma_wait3A_675] : memref<204800x128xf32, #tpu.memory_space<hbm>> -> memref<128x128xf32, #tpu.memory_space<hbm>>
      %dma_wait3A_677 = arith.constant 0 : i32
      %dma_wait3A_678 = arith.constant 0 : i32
      %dma_wait3A_679 = tpu.memref_slice %arg6[%dma_wait3A_666, %dma_wait3A_677, %dma_wait3A_678] : memref<6x128x128xf32, #tpu.memory_space<vmem>> -> memref<1x128x128xf32, #tpu.memory_space<vmem>>
      %dma_wait3A_680 = tpu.memref_squeeze %dma_wait3A_679 : memref<1x128x128xf32, #tpu.memory_space<vmem>> -> memref<128x128xf32, #tpu.memory_space<vmem>>
      tpu.wait_dma2 semaphore(%arg8 : memref<!tpu.dma_semaphore, #tpu.memory_space<semaphore_mem>>) src(%dma_wait3A_680 : memref<128x128xf32, #tpu.memory_space<vmem>>) dst(%dma_wait3A_676 : memref<128x128xf32, #tpu.memory_space<hbm>>)
      %mul3A_681 = arith.constant 128 : i32
      %mul3A_682 = arith.muli %add3A_650, %mul3A_681 : i32
      %add3A_683 = arith.addi %mul3A_2, %mul3A_682 : i32
      %dma_start3A_684 = arith.constant 5 : i32
      %dma_start3A_685 = arith.constant 0 : i32
      %dma_start3A_686 = arith.constant 0 : i32
      %dma_start3A_687 = tpu.memref_slice %arg6[%dma_start3A_684, %dma_start3A_685, %dma_start3A_686] : memref<6x128x128xf32, #tpu.memory_space<vmem>> -> memref<1x128x128xf32, #tpu.memory_space<vmem>>
      %dma_start3A_688 = tpu.memref_squeeze %dma_start3A_687 : memref<1x128x128xf32, #tpu.memory_space<vmem>> -> memref<128x128xf32, #tpu.memory_space<vmem>>
      %dma_start3A_689 = arith.constant 0 : i32
      %dma_start3A_690 = tpu.memref_slice %arg4[%add3A_683, %dma_start3A_689] : memref<204800x128xf32, #tpu.memory_space<hbm>> -> memref<128x128xf32, #tpu.memory_space<hbm>>
      %dma_start3A_691 = arith.constant 0 : i32
      %dma_start3A_692 = tpu.memref_slice %arg4[%add3A_683, %dma_start3A_691] : memref<204800x128xf32, #tpu.memory_space<hbm>> -> memref<128x128xf32, #tpu.memory_space<hbm>>
      %dma_start3A_693 = arith.constant 0 : i32
      %dma_start3A_694 = arith.constant 0 : i32
      %dma_start3A_695 = tpu.memref_slice %arg6[%dma_start3A_684, %dma_start3A_693, %dma_start3A_694] : memref<6x128x128xf32, #tpu.memory_space<vmem>> -> memref<1x128x128xf32, #tpu.memory_space<vmem>>
      %dma_start3A_696 = tpu.memref_squeeze %dma_start3A_695 : memref<1x128x128xf32, #tpu.memory_space<vmem>> -> memref<128x128xf32, #tpu.memory_space<vmem>>
      tpu.enqueue_dma source(%dma_start3A_696 : memref<128x128xf32, #tpu.memory_space<vmem>>) target(%dma_start3A_692 : memref<128x128xf32, #tpu.memory_space<hbm>>) target_semaphore(%arg8 : memref<!tpu.dma_semaphore, #tpu.memory_space<semaphore_mem>>)
      %add3A_697 = arith.constant 4 : i32
      %add3A_698 = arith.addi %add3A_650, %add3A_697 : i32
      %dma_start3A_699 = arith.constant 3 : i32
      %dma_start3A_700 = arith.constant 0 : i32
      %dma_start3A_701 = arith.constant 0 : i32
      %dma_start3A_702 = tpu.memref_slice %arg6[%dma_start3A_699, %dma_start3A_700, %dma_start3A_701] : memref<6x128x128xf32, #tpu.memory_space<vmem>> -> memref<1x128x128xf32, #tpu.memory_space<vmem>>
      %dma_start3A_703 = tpu.memref_squeeze %dma_start3A_702 : memref<1x128x128xf32, #tpu.memory_space<vmem>> -> memref<128x128xf32, #tpu.memory_space<vmem>>
      %dma_start3A_704 = arith.constant 0 : i32
      %dma_start3A_705 = tpu.memref_slice %arg5[%add3A_698, %dma_start3A_704] : memref<50x128xi32, #tpu.memory_space<vmem>> -> memref<1x128xi32, #tpu.memory_space<vmem>>
      %dma_start3A_706 = tpu.memref_squeeze %dma_start3A_705 : memref<1x128xi32, #tpu.memory_space<vmem>> -> memref<128xi32, #tpu.memory_space<vmem>>
      %dma_start3A_707 = arith.constant 0 : i32
      %dma_start3A_708 = arith.constant 0 : i32
      %dma_start3A_709 = tpu.memref_slice %arg3[%dma_start3A_707, %dma_start3A_708] : memref<100000x128xf32, #tpu.memory_space<hbm>> -> memref<100000x128xf32, #tpu.memory_space<hbm>>
      tpu.enqueue_indirect_dma source(%dma_start3A_709 : memref<100000x128xf32, #tpu.memory_space<hbm>>) target(%dma_start3A_703 : memref<128x128xf32, #tpu.memory_space<vmem>>) offsets(%dma_start3A_706 : memref<128xi32, #tpu.memory_space<vmem>>) semaphore(%arg7 : memref<!tpu.dma_semaphore, #tpu.memory_space<semaphore_mem>>)
      %add3A_710 = arith.constant 4 : i32
      %add3A_711 = arith.addi %add3A_465, %add3A_710 : i32
      %dma_wait3A_712 = arith.constant 0 : i32
      %dma_wait3A_713 = arith.constant 0 : i32
      %dma_wait3A_714 = arith.constant 0 : i32
      %dma_wait3A_715 = tpu.memref_slice %arg6[%dma_wait3A_712, %dma_wait3A_713, %dma_wait3A_714] : memref<6x128x128xf32, #tpu.memory_space<vmem>> -> memref<1x128x128xf32, #tpu.memory_space<vmem>>
      %dma_wait3A_716 = tpu.memref_squeeze %dma_wait3A_715 : memref<1x128x128xf32, #tpu.memory_space<vmem>> -> memref<128x128xf32, #tpu.memory_space<vmem>>
      %dma_wait3A_717 = arith.constant 0 : i32
      %dma_wait3A_718 = arith.constant 0 : i32
      %dma_wait3A_719 = tpu.memref_slice %arg3[%dma_wait3A_717, %dma_wait3A_718] : memref<100000x128xf32, #tpu.memory_space<hbm>> -> memref<128x128xf32, #tpu.memory_space<hbm>>
      %dma_wait3A_720 = arith.constant 0 : i32
      %dma_wait3A_721 = arith.constant 0 : i32
      %dma_wait3A_722 = tpu.memref_slice %arg6[%dma_wait3A_712, %dma_wait3A_720, %dma_wait3A_721] : memref<6x128x128xf32, #tpu.memory_space<vmem>> -> memref<1x128x128xf32, #tpu.memory_space<vmem>>
      %dma_wait3A_723 = tpu.memref_squeeze %dma_wait3A_722 : memref<1x128x128xf32, #tpu.memory_space<vmem>> -> memref<128x128xf32, #tpu.memory_space<vmem>>
      %dma_wait3A_724 = arith.constant 0 : i32
      %dma_wait3A_725 = arith.constant 0 : i32
      %dma_wait3A_726 = tpu.memref_slice %arg3[%dma_wait3A_724, %dma_wait3A_725] : memref<100000x128xf32, #tpu.memory_space<hbm>> -> memref<128x128xf32, #tpu.memory_space<hbm>>
      tpu.wait_dma2 semaphore(%arg7 : memref<!tpu.dma_semaphore, #tpu.memory_space<semaphore_mem>>) src(%dma_wait3A_726 : memref<128x128xf32, #tpu.memory_space<hbm>>) dst(%dma_wait3A_723 : memref<128x128xf32, #tpu.memory_space<vmem>>)
      %dma_wait3A_727 = arith.constant 0 : i32
      %dma_wait3A_728 = arith.constant 0 : i32
      %dma_wait3A_729 = arith.constant 0 : i32
      %dma_wait3A_730 = tpu.memref_slice %arg6[%dma_wait3A_727, %dma_wait3A_728, %dma_wait3A_729] : memref<6x128x128xf32, #tpu.memory_space<vmem>> -> memref<1x128x128xf32, #tpu.memory_space<vmem>>
      %dma_wait3A_731 = tpu.memref_squeeze %dma_wait3A_730 : memref<1x128x128xf32, #tpu.memory_space<vmem>> -> memref<128x128xf32, #tpu.memory_space<vmem>>
      %dma_wait3A_732 = arith.constant 0 : i32
      %dma_wait3A_733 = arith.constant 0 : i32
      %dma_wait3A_734 = tpu.memref_slice %arg4[%dma_wait3A_732, %dma_wait3A_733] : memref<204800x128xf32, #tpu.memory_space<hbm>> -> memref<128x128xf32, #tpu.memory_space<hbm>>
      %dma_wait3A_735 = arith.constant 0 : i32
      %dma_wait3A_736 = arith.constant 0 : i32
      %dma_wait3A_737 = tpu.memref_slice %arg4[%dma_wait3A_735, %dma_wait3A_736] : memref<204800x128xf32, #tpu.memory_space<hbm>> -> memref<128x128xf32, #tpu.memory_space<hbm>>
      %dma_wait3A_738 = arith.constant 0 : i32
      %dma_wait3A_739 = arith.constant 0 : i32
      %dma_wait3A_740 = tpu.memref_slice %arg6[%dma_wait3A_727, %dma_wait3A_738, %dma_wait3A_739] : memref<6x128x128xf32, #tpu.memory_space<vmem>> -> memref<1x128x128xf32, #tpu.memory_space<vmem>>
      %dma_wait3A_741 = tpu.memref_squeeze %dma_wait3A_740 : memref<1x128x128xf32, #tpu.memory_space<vmem>> -> memref<128x128xf32, #tpu.memory_space<vmem>>
      tpu.wait_dma2 semaphore(%arg8 : memref<!tpu.dma_semaphore, #tpu.memory_space<semaphore_mem>>) src(%dma_wait3A_741 : memref<128x128xf32, #tpu.memory_space<vmem>>) dst(%dma_wait3A_737 : memref<128x128xf32, #tpu.memory_space<hbm>>)
      %mul3A_742 = arith.constant 128 : i32
      %mul3A_743 = arith.muli %add3A_711, %mul3A_742 : i32
      %add3A_744 = arith.addi %mul3A_2, %mul3A_743 : i32
      %dma_start3A_745 = arith.constant 0 : i32
      %dma_start3A_746 = arith.constant 0 : i32
      %dma_start3A_747 = arith.constant 0 : i32
      %dma_start3A_748 = tpu.memref_slice %arg6[%dma_start3A_745, %dma_start3A_746, %dma_start3A_747] : memref<6x128x128xf32, #tpu.memory_space<vmem>> -> memref<1x128x128xf32, #tpu.memory_space<vmem>>
      %dma_start3A_749 = tpu.memref_squeeze %dma_start3A_748 : memref<1x128x128xf32, #tpu.memory_space<vmem>> -> memref<128x128xf32, #tpu.memory_space<vmem>>
      %dma_start3A_750 = arith.constant 0 : i32
      %dma_start3A_751 = tpu.memref_slice %arg4[%add3A_744, %dma_start3A_750] : memref<204800x128xf32, #tpu.memory_space<hbm>> -> memref<128x128xf32, #tpu.memory_space<hbm>>
      %dma_start3A_752 = arith.constant 0 : i32
      %dma_start3A_753 = tpu.memref_slice %arg4[%add3A_744, %dma_start3A_752] : memref<204800x128xf32, #tpu.memory_space<hbm>> -> memref<128x128xf32, #tpu.memory_space<hbm>>
      %dma_start3A_754 = arith.constant 0 : i32
      %dma_start3A_755 = arith.constant 0 : i32
      %dma_start3A_756 = tpu.memref_slice %arg6[%dma_start3A_745, %dma_start3A_754, %dma_start3A_755] : memref<6x128x128xf32, #tpu.memory_space<vmem>> -> memref<1x128x128xf32, #tpu.memory_space<vmem>>
      %dma_start3A_757 = tpu.memref_squeeze %dma_start3A_756 : memref<1x128x128xf32, #tpu.memory_space<vmem>> -> memref<128x128xf32, #tpu.memory_space<vmem>>
      tpu.enqueue_dma source(%dma_start3A_757 : memref<128x128xf32, #tpu.memory_space<vmem>>) target(%dma_start3A_753 : memref<128x128xf32, #tpu.memory_space<hbm>>) target_semaphore(%arg8 : memref<!tpu.dma_semaphore, #tpu.memory_space<semaphore_mem>>)
      %add3A_758 = arith.constant 4 : i32
      %add3A_759 = arith.addi %add3A_711, %add3A_758 : i32
      %dma_start3A_760 = arith.constant 4 : i32
      %dma_start3A_761 = arith.constant 0 : i32
      %dma_start3A_762 = arith.constant 0 : i32
      %dma_start3A_763 = tpu.memref_slice %arg6[%dma_start3A_760, %dma_start3A_761, %dma_start3A_762] : memref<6x128x128xf32, #tpu.memory_space<vmem>> -> memref<1x128x128xf32, #tpu.memory_space<vmem>>
      %dma_start3A_764 = tpu.memref_squeeze %dma_start3A_763 : memref<1x128x128xf32, #tpu.memory_space<vmem>> -> memref<128x128xf32, #tpu.memory_space<vmem>>
      %dma_start3A_765 = arith.constant 0 : i32
      %dma_start3A_766 = tpu.memref_slice %arg5[%add3A_759, %dma_start3A_765] : memref<50x128xi32, #tpu.memory_space<vmem>> -> memref<1x128xi32, #tpu.memory_space<vmem>>
      %dma_start3A_767 = tpu.memref_squeeze %dma_start3A_766 : memref<1x128xi32, #tpu.memory_space<vmem>> -> memref<128xi32, #tpu.memory_space<vmem>>
      %dma_start3A_768 = arith.constant 0 : i32
      %dma_start3A_769 = arith.constant 0 : i32
      %dma_start3A_770 = tpu.memref_slice %arg3[%dma_start3A_768, %dma_start3A_769] : memref<100000x128xf32, #tpu.memory_space<hbm>> -> memref<100000x128xf32, #tpu.memory_space<hbm>>
      tpu.enqueue_indirect_dma source(%dma_start3A_770 : memref<100000x128xf32, #tpu.memory_space<hbm>>) target(%dma_start3A_764 : memref<128x128xf32, #tpu.memory_space<vmem>>) offsets(%dma_start3A_767 : memref<128xi32, #tpu.memory_space<vmem>>) semaphore(%arg7 : memref<!tpu.dma_semaphore, #tpu.memory_space<semaphore_mem>>)
      %add3A_771 = arith.constant 5 : i32
      %add3A_772 = arith.addi %add3A_465, %add3A_771 : i32
      %dma_wait3A_773 = arith.constant 1 : i32
      %dma_wait3A_774 = arith.constant 0 : i32
      %dma_wait3A_775 = arith.constant 0 : i32
      %dma_wait3A_776 = tpu.memref_slice %arg6[%dma_wait3A_773, %dma_wait3A_774, %dma_wait3A_775] : memref<6x128x128xf32, #tpu.memory_space<vmem>> -> memref<1x128x128xf32, #tpu.memory_space<vmem>>
      %dma_wait3A_777 = tpu.memref_squeeze %dma_wait3A_776 : memref<1x128x128xf32, #tpu.memory_space<vmem>> -> memref<128x128xf32, #tpu.memory_space<vmem>>
      %dma_wait3A_778 = arith.constant 0 : i32
      %dma_wait3A_779 = arith.constant 0 : i32
      %dma_wait3A_780 = tpu.memref_slice %arg3[%dma_wait3A_778, %dma_wait3A_779] : memref<100000x128xf32, #tpu.memory_space<hbm>> -> memref<128x128xf32, #tpu.memory_space<hbm>>
      %dma_wait3A_781 = arith.constant 0 : i32
      %dma_wait3A_782 = arith.constant 0 : i32
      %dma_wait3A_783 = tpu.memref_slice %arg6[%dma_wait3A_773, %dma_wait3A_781, %dma_wait3A_782] : memref<6x128x128xf32, #tpu.memory_space<vmem>> -> memref<1x128x128xf32, #tpu.memory_space<vmem>>
      %dma_wait3A_784 = tpu.memref_squeeze %dma_wait3A_783 : memref<1x128x128xf32, #tpu.memory_space<vmem>> -> memref<128x128xf32, #tpu.memory_space<vmem>>
      %dma_wait3A_785 = arith.constant 0 : i32
      %dma_wait3A_786 = arith.constant 0 : i32
      %dma_wait3A_787 = tpu.memref_slice %arg3[%dma_wait3A_785, %dma_wait3A_786] : memref<100000x128xf32, #tpu.memory_space<hbm>> -> memref<128x128xf32, #tpu.memory_space<hbm>>
      tpu.wait_dma2 semaphore(%arg7 : memref<!tpu.dma_semaphore, #tpu.memory_space<semaphore_mem>>) src(%dma_wait3A_787 : memref<128x128xf32, #tpu.memory_space<hbm>>) dst(%dma_wait3A_784 : memref<128x128xf32, #tpu.memory_space<vmem>>)
      %dma_wait3A_788 = arith.constant 0 : i32
      %dma_wait3A_789 = arith.constant 0 : i32
      %dma_wait3A_790 = arith.constant 0 : i32
      %dma_wait3A_791 = tpu.memref_slice %arg6[%dma_wait3A_788, %dma_wait3A_789, %dma_wait3A_790] : memref<6x128x128xf32, #tpu.memory_space<vmem>> -> memref<1x128x128xf32, #tpu.memory_space<vmem>>
      %dma_wait3A_792 = tpu.memref_squeeze %dma_wait3A_791 : memref<1x128x128xf32, #tpu.memory_space<vmem>> -> memref<128x128xf32, #tpu.memory_space<vmem>>
      %dma_wait3A_793 = arith.constant 0 : i32
      %dma_wait3A_794 = arith.constant 0 : i32
      %dma_wait3A_795 = tpu.memref_slice %arg4[%dma_wait3A_793, %dma_wait3A_794] : memref<204800x128xf32, #tpu.memory_space<hbm>> -> memref<128x128xf32, #tpu.memory_space<hbm>>
      %dma_wait3A_796 = arith.constant 0 : i32
      %dma_wait3A_797 = arith.constant 0 : i32
      %dma_wait3A_798 = tpu.memref_slice %arg4[%dma_wait3A_796, %dma_wait3A_797] : memref<204800x128xf32, #tpu.memory_space<hbm>> -> memref<128x128xf32, #tpu.memory_space<hbm>>
      %dma_wait3A_799 = arith.constant 0 : i32
      %dma_wait3A_800 = arith.constant 0 : i32
      %dma_wait3A_801 = tpu.memref_slice %arg6[%dma_wait3A_788, %dma_wait3A_799, %dma_wait3A_800] : memref<6x128x128xf32, #tpu.memory_space<vmem>> -> memref<1x128x128xf32, #tpu.memory_space<vmem>>
      %dma_wait3A_802 = tpu.memref_squeeze %dma_wait3A_801 : memref<1x128x128xf32, #tpu.memory_space<vmem>> -> memref<128x128xf32, #tpu.memory_space<vmem>>
      tpu.wait_dma2 semaphore(%arg8 : memref<!tpu.dma_semaphore, #tpu.memory_space<semaphore_mem>>) src(%dma_wait3A_802 : memref<128x128xf32, #tpu.memory_space<vmem>>) dst(%dma_wait3A_798 : memref<128x128xf32, #tpu.memory_space<hbm>>)
      %mul3A_803 = arith.constant 128 : i32
      %mul3A_804 = arith.muli %add3A_772, %mul3A_803 : i32
      %add3A_805 = arith.addi %mul3A_2, %mul3A_804 : i32
      %dma_start3A_806 = arith.constant 1 : i32
      %dma_start3A_807 = arith.constant 0 : i32
      %dma_start3A_808 = arith.constant 0 : i32
      %dma_start3A_809 = tpu.memref_slice %arg6[%dma_start3A_806, %dma_start3A_807, %dma_start3A_808] : memref<6x128x128xf32, #tpu.memory_space<vmem>> -> memref<1x128x128xf32, #tpu.memory_space<vmem>>
      %dma_start3A_810 = tpu.memref_squeeze %dma_start3A_809 : memref<1x128x128xf32, #tpu.memory_space<vmem>> -> memref<128x128xf32, #tpu.memory_space<vmem>>
      %dma_start3A_811 = arith.constant 0 : i32
      %dma_start3A_812 = tpu.memref_slice %arg4[%add3A_805, %dma_start3A_811] : memref<204800x128xf32, #tpu.memory_space<hbm>> -> memref<128x128xf32, #tpu.memory_space<hbm>>
      %dma_start3A_813 = arith.constant 0 : i32
      %dma_start3A_814 = tpu.memref_slice %arg4[%add3A_805, %dma_start3A_813] : memref<204800x128xf32, #tpu.memory_space<hbm>> -> memref<128x128xf32, #tpu.memory_space<hbm>>
      %dma_start3A_815 = arith.constant 0 : i32
      %dma_start3A_816 = arith.constant 0 : i32
      %dma_start3A_817 = tpu.memref_slice %arg6[%dma_start3A_806, %dma_start3A_815, %dma_start3A_816] : memref<6x128x128xf32, #tpu.memory_space<vmem>> -> memref<1x128x128xf32, #tpu.memory_space<vmem>>
      %dma_start3A_818 = tpu.memref_squeeze %dma_start3A_817 : memref<1x128x128xf32, #tpu.memory_space<vmem>> -> memref<128x128xf32, #tpu.memory_space<vmem>>
      tpu.enqueue_dma source(%dma_start3A_818 : memref<128x128xf32, #tpu.memory_space<vmem>>) target(%dma_start3A_814 : memref<128x128xf32, #tpu.memory_space<hbm>>) target_semaphore(%arg8 : memref<!tpu.dma_semaphore, #tpu.memory_space<semaphore_mem>>)
      %add3A_819 = arith.constant 4 : i32
      %add3A_820 = arith.addi %add3A_772, %add3A_819 : i32
      %dma_start3A_821 = arith.constant 5 : i32
      %dma_start3A_822 = arith.constant 0 : i32
      %dma_start3A_823 = arith.constant 0 : i32
      %dma_start3A_824 = tpu.memref_slice %arg6[%dma_start3A_821, %dma_start3A_822, %dma_start3A_823] : memref<6x128x128xf32, #tpu.memory_space<vmem>> -> memref<1x128x128xf32, #tpu.memory_space<vmem>>
      %dma_start3A_825 = tpu.memref_squeeze %dma_start3A_824 : memref<1x128x128xf32, #tpu.memory_space<vmem>> -> memref<128x128xf32, #tpu.memory_space<vmem>>
      %dma_start3A_826 = arith.constant 0 : i32
      %dma_start3A_827 = tpu.memref_slice %arg5[%add3A_820, %dma_start3A_826] : memref<50x128xi32, #tpu.memory_space<vmem>> -> memref<1x128xi32, #tpu.memory_space<vmem>>
      %dma_start3A_828 = tpu.memref_squeeze %dma_start3A_827 : memref<1x128xi32, #tpu.memory_space<vmem>> -> memref<128xi32, #tpu.memory_space<vmem>>
      %dma_start3A_829 = arith.constant 0 : i32
      %dma_start3A_830 = arith.constant 0 : i32
      %dma_start3A_831 = tpu.memref_slice %arg3[%dma_start3A_829, %dma_start3A_830] : memref<100000x128xf32, #tpu.memory_space<hbm>> -> memref<100000x128xf32, #tpu.memory_space<hbm>>
      tpu.enqueue_indirect_dma source(%dma_start3A_831 : memref<100000x128xf32, #tpu.memory_space<hbm>>) target(%dma_start3A_825 : memref<128x128xf32, #tpu.memory_space<vmem>>) offsets(%dma_start3A_828 : memref<128xi32, #tpu.memory_space<vmem>>) semaphore(%arg7 : memref<!tpu.dma_semaphore, #tpu.memory_space<semaphore_mem>>)
    }
    %scan3A_136 = arith.constant 7 : i32
    %dma_wait3A_137 = arith.constant 2 : i32
    %dma_wait3A_138 = arith.constant 0 : i32
    %dma_wait3A_139 = arith.constant 0 : i32
    %dma_wait3A_140 = tpu.memref_slice %arg6[%dma_wait3A_137, %dma_wait3A_138, %dma_wait3A_139] : memref<6x128x128xf32, #tpu.memory_space<vmem>> -> memref<1x128x128xf32, #tpu.memory_space<vmem>>
    %dma_wait3A_141 = tpu.memref_squeeze %dma_wait3A_140 : memref<1x128x128xf32, #tpu.memory_space<vmem>> -> memref<128x128xf32, #tpu.memory_space<vmem>>
    %dma_wait3A_142 = arith.constant 0 : i32
    %dma_wait3A_143 = arith.constant 0 : i32
    %dma_wait3A_144 = tpu.memref_slice %arg3[%dma_wait3A_142, %dma_wait3A_143] : memref<100000x128xf32, #tpu.memory_space<hbm>> -> memref<128x128xf32, #tpu.memory_space<hbm>>
    %dma_wait3A_145 = arith.constant 0 : i32
    %dma_wait3A_146 = arith.constant 0 : i32
    %dma_wait3A_147 = tpu.memref_slice %arg6[%dma_wait3A_137, %dma_wait3A_145, %dma_wait3A_146] : memref<6x128x128xf32, #tpu.memory_space<vmem>> -> memref<1x128x128xf32, #tpu.memory_space<vmem>>
    %dma_wait3A_148 = tpu.memref_squeeze %dma_wait3A_147 : memref<1x128x128xf32, #tpu.memory_space<vmem>> -> memref<128x128xf32, #tpu.memory_space<vmem>>
    %dma_wait3A_149 = arith.constant 0 : i32
    %dma_wait3A_150 = arith.constant 0 : i32
    %dma_wait3A_151 = tpu.memref_slice %arg3[%dma_wait3A_149, %dma_wait3A_150] : memref<100000x128xf32, #tpu.memory_space<hbm>> -> memref<128x128xf32, #tpu.memory_space<hbm>>
    tpu.wait_dma2 semaphore(%arg7 : memref<!tpu.dma_semaphore, #tpu.memory_space<semaphore_mem>>) src(%dma_wait3A_151 : memref<128x128xf32, #tpu.memory_space<hbm>>) dst(%dma_wait3A_148 : memref<128x128xf32, #tpu.memory_space<vmem>>)
    %dma_wait3A_152 = arith.constant 0 : i32
    %dma_wait3A_153 = arith.constant 0 : i32
    %dma_wait3A_154 = arith.constant 0 : i32
    %dma_wait3A_155 = tpu.memref_slice %arg6[%dma_wait3A_152, %dma_wait3A_153, %dma_wait3A_154] : memref<6x128x128xf32, #tpu.memory_space<vmem>> -> memref<1x128x128xf32, #tpu.memory_space<vmem>>
    %dma_wait3A_156 = tpu.memref_squeeze %dma_wait3A_155 : memref<1x128x128xf32, #tpu.memory_space<vmem>> -> memref<128x128xf32, #tpu.memory_space<vmem>>
    %dma_wait3A_157 = arith.constant 0 : i32
    %dma_wait3A_158 = arith.constant 0 : i32
    %dma_wait3A_159 = tpu.memref_slice %arg4[%dma_wait3A_157, %dma_wait3A_158] : memref<204800x128xf32, #tpu.memory_space<hbm>> -> memref<128x128xf32, #tpu.memory_space<hbm>>
    %dma_wait3A_160 = arith.constant 0 : i32
    %dma_wait3A_161 = arith.constant 0 : i32
    %dma_wait3A_162 = tpu.memref_slice %arg4[%dma_wait3A_160, %dma_wait3A_161] : memref<204800x128xf32, #tpu.memory_space<hbm>> -> memref<128x128xf32, #tpu.memory_space<hbm>>
    %dma_wait3A_163 = arith.constant 0 : i32
    %dma_wait3A_164 = arith.constant 0 : i32
    %dma_wait3A_165 = tpu.memref_slice %arg6[%dma_wait3A_152, %dma_wait3A_163, %dma_wait3A_164] : memref<6x128x128xf32, #tpu.memory_space<vmem>> -> memref<1x128x128xf32, #tpu.memory_space<vmem>>
    %dma_wait3A_166 = tpu.memref_squeeze %dma_wait3A_165 : memref<1x128x128xf32, #tpu.memory_space<vmem>> -> memref<128x128xf32, #tpu.memory_space<vmem>>
    tpu.wait_dma2 semaphore(%arg8 : memref<!tpu.dma_semaphore, #tpu.memory_space<semaphore_mem>>) src(%dma_wait3A_166 : memref<128x128xf32, #tpu.memory_space<vmem>>) dst(%dma_wait3A_162 : memref<128x128xf32, #tpu.memory_space<hbm>>)
    %add3A_167 = arith.constant 5632 : i32
    %add3A_168 = arith.addi %mul3A_2, %add3A_167 : i32
    %dma_start3A_169 = arith.constant 2 : i32
    %dma_start3A_170 = arith.constant 0 : i32
    %dma_start3A_171 = arith.constant 0 : i32
    %dma_start3A_172 = tpu.memref_slice %arg6[%dma_start3A_169, %dma_start3A_170, %dma_start3A_171] : memref<6x128x128xf32, #tpu.memory_space<vmem>> -> memref<1x128x128xf32, #tpu.memory_space<vmem>>
    %dma_start3A_173 = tpu.memref_squeeze %dma_start3A_172 : memref<1x128x128xf32, #tpu.memory_space<vmem>> -> memref<128x128xf32, #tpu.memory_space<vmem>>
    %dma_start3A_174 = arith.constant 0 : i32
    %dma_start3A_175 = tpu.memref_slice %arg4[%add3A_168, %dma_start3A_174] : memref<204800x128xf32, #tpu.memory_space<hbm>> -> memref<128x128xf32, #tpu.memory_space<hbm>>
    %dma_start3A_176 = arith.constant 0 : i32
    %dma_start3A_177 = tpu.memref_slice %arg4[%add3A_168, %dma_start3A_176] : memref<204800x128xf32, #tpu.memory_space<hbm>> -> memref<128x128xf32, #tpu.memory_space<hbm>>
    %dma_start3A_178 = arith.constant 0 : i32
    %dma_start3A_179 = arith.constant 0 : i32
    %dma_start3A_180 = tpu.memref_slice %arg6[%dma_start3A_169, %dma_start3A_178, %dma_start3A_179] : memref<6x128x128xf32, #tpu.memory_space<vmem>> -> memref<1x128x128xf32, #tpu.memory_space<vmem>>
    %dma_start3A_181 = tpu.memref_squeeze %dma_start3A_180 : memref<1x128x128xf32, #tpu.memory_space<vmem>> -> memref<128x128xf32, #tpu.memory_space<vmem>>
    tpu.enqueue_dma source(%dma_start3A_181 : memref<128x128xf32, #tpu.memory_space<vmem>>) target(%dma_start3A_177 : memref<128x128xf32, #tpu.memory_space<hbm>>) target_semaphore(%arg8 : memref<!tpu.dma_semaphore, #tpu.memory_space<semaphore_mem>>)
    %dma_start3A_182 = arith.constant 48 : i32
    %dma_start3A_183 = arith.constant 0 : i32
    %dma_start3A_184 = arith.constant 0 : i32
    %dma_start3A_185 = arith.constant 0 : i32
    %dma_start3A_186 = tpu.memref_slice %arg6[%dma_start3A_183, %dma_start3A_184, %dma_start3A_185] : memref<6x128x128xf32, #tpu.memory_space<vmem>> -> memref<1x128x128xf32, #tpu.memory_space<vmem>>
    %dma_start3A_187 = tpu.memref_squeeze %dma_start3A_186 : memref<1x128x128xf32, #tpu.memory_space<vmem>> -> memref<128x128xf32, #tpu.memory_space<vmem>>
    %dma_start3A_188 = arith.constant 0 : i32
    %dma_start3A_189 = tpu.memref_slice %arg5[%dma_start3A_182, %dma_start3A_188] : memref<50x128xi32, #tpu.memory_space<vmem>> -> memref<1x128xi32, #tpu.memory_space<vmem>>
    %dma_start3A_190 = tpu.memref_squeeze %dma_start3A_189 : memref<1x128xi32, #tpu.memory_space<vmem>> -> memref<128xi32, #tpu.memory_space<vmem>>
    %dma_start3A_191 = arith.constant 0 : i32
    %dma_start3A_192 = arith.constant 0 : i32
    %dma_start3A_193 = tpu.memref_slice %arg3[%dma_start3A_191, %dma_start3A_192] : memref<100000x128xf32, #tpu.memory_space<hbm>> -> memref<100000x128xf32, #tpu.memory_space<hbm>>
    tpu.enqueue_indirect_dma source(%dma_start3A_193 : memref<100000x128xf32, #tpu.memory_space<hbm>>) target(%dma_start3A_187 : memref<128x128xf32, #tpu.memory_space<vmem>>) offsets(%dma_start3A_190 : memref<128xi32, #tpu.memory_space<vmem>>) semaphore(%arg7 : memref<!tpu.dma_semaphore, #tpu.memory_space<semaphore_mem>>)
    %dma_wait3A_194 = arith.constant 3 : i32
    %dma_wait3A_195 = arith.constant 0 : i32
    %dma_wait3A_196 = arith.constant 0 : i32
    %dma_wait3A_197 = tpu.memref_slice %arg6[%dma_wait3A_194, %dma_wait3A_195, %dma_wait3A_196] : memref<6x128x128xf32, #tpu.memory_space<vmem>> -> memref<1x128x128xf32, #tpu.memory_space<vmem>>
    %dma_wait3A_198 = tpu.memref_squeeze %dma_wait3A_197 : memref<1x128x128xf32, #tpu.memory_space<vmem>> -> memref<128x128xf32, #tpu.memory_space<vmem>>
    %dma_wait3A_199 = arith.constant 0 : i32
    %dma_wait3A_200 = arith.constant 0 : i32
    %dma_wait3A_201 = tpu.memref_slice %arg3[%dma_wait3A_199, %dma_wait3A_200] : memref<100000x128xf32, #tpu.memory_space<hbm>> -> memref<128x128xf32, #tpu.memory_space<hbm>>
    %dma_wait3A_202 = arith.constant 0 : i32
    %dma_wait3A_203 = arith.constant 0 : i32
    %dma_wait3A_204 = tpu.memref_slice %arg6[%dma_wait3A_194, %dma_wait3A_202, %dma_wait3A_203] : memref<6x128x128xf32, #tpu.memory_space<vmem>> -> memref<1x128x128xf32, #tpu.memory_space<vmem>>
    %dma_wait3A_205 = tpu.memref_squeeze %dma_wait3A_204 : memref<1x128x128xf32, #tpu.memory_space<vmem>> -> memref<128x128xf32, #tpu.memory_space<vmem>>
    %dma_wait3A_206 = arith.constant 0 : i32
    %dma_wait3A_207 = arith.constant 0 : i32
    %dma_wait3A_208 = tpu.memref_slice %arg3[%dma_wait3A_206, %dma_wait3A_207] : memref<100000x128xf32, #tpu.memory_space<hbm>> -> memref<128x128xf32, #tpu.memory_space<hbm>>
    tpu.wait_dma2 semaphore(%arg7 : memref<!tpu.dma_semaphore, #tpu.memory_space<semaphore_mem>>) src(%dma_wait3A_208 : memref<128x128xf32, #tpu.memory_space<hbm>>) dst(%dma_wait3A_205 : memref<128x128xf32, #tpu.memory_space<vmem>>)
    %dma_wait3A_209 = arith.constant 0 : i32
    %dma_wait3A_210 = arith.constant 0 : i32
    %dma_wait3A_211 = arith.constant 0 : i32
    %dma_wait3A_212 = tpu.memref_slice %arg6[%dma_wait3A_209, %dma_wait3A_210, %dma_wait3A_211] : memref<6x128x128xf32, #tpu.memory_space<vmem>> -> memref<1x128x128xf32, #tpu.memory_space<vmem>>
    %dma_wait3A_213 = tpu.memref_squeeze %dma_wait3A_212 : memref<1x128x128xf32, #tpu.memory_space<vmem>> -> memref<128x128xf32, #tpu.memory_space<vmem>>
    %dma_wait3A_214 = arith.constant 0 : i32
    %dma_wait3A_215 = arith.constant 0 : i32
    %dma_wait3A_216 = tpu.memref_slice %arg4[%dma_wait3A_214, %dma_wait3A_215] : memref<204800x128xf32, #tpu.memory_space<hbm>> -> memref<128x128xf32, #tpu.memory_space<hbm>>
    %dma_wait3A_217 = arith.constant 0 : i32
    %dma_wait3A_218 = arith.constant 0 : i32
    %dma_wait3A_219 = tpu.memref_slice %arg4[%dma_wait3A_217, %dma_wait3A_218] : memref<204800x128xf32, #tpu.memory_space<hbm>> -> memref<128x128xf32, #tpu.memory_space<hbm>>
    %dma_wait3A_220 = arith.constant 0 : i32
    %dma_wait3A_221 = arith.constant 0 : i32
    %dma_wait3A_222 = tpu.memref_slice %arg6[%dma_wait3A_209, %dma_wait3A_220, %dma_wait3A_221] : memref<6x128x128xf32, #tpu.memory_space<vmem>> -> memref<1x128x128xf32, #tpu.memory_space<vmem>>
    %dma_wait3A_223 = tpu.memref_squeeze %dma_wait3A_222 : memref<1x128x128xf32, #tpu.memory_space<vmem>> -> memref<128x128xf32, #tpu.memory_space<vmem>>
    tpu.wait_dma2 semaphore(%arg8 : memref<!tpu.dma_semaphore, #tpu.memory_space<semaphore_mem>>) src(%dma_wait3A_223 : memref<128x128xf32, #tpu.memory_space<vmem>>) dst(%dma_wait3A_219 : memref<128x128xf32, #tpu.memory_space<hbm>>)
    %add3A_224 = arith.constant 5760 : i32
    %add3A_225 = arith.addi %mul3A_2, %add3A_224 : i32
    %dma_start3A_226 = arith.constant 3 : i32
    %dma_start3A_227 = arith.constant 0 : i32
    %dma_start3A_228 = arith.constant 0 : i32
    %dma_start3A_229 = tpu.memref_slice %arg6[%dma_start3A_226, %dma_start3A_227, %dma_start3A_228] : memref<6x128x128xf32, #tpu.memory_space<vmem>> -> memref<1x128x128xf32, #tpu.memory_space<vmem>>
    %dma_start3A_230 = tpu.memref_squeeze %dma_start3A_229 : memref<1x128x128xf32, #tpu.memory_space<vmem>> -> memref<128x128xf32, #tpu.memory_space<vmem>>
    %dma_start3A_231 = arith.constant 0 : i32
    %dma_start3A_232 = tpu.memref_slice %arg4[%add3A_225, %dma_start3A_231] : memref<204800x128xf32, #tpu.memory_space<hbm>> -> memref<128x128xf32, #tpu.memory_space<hbm>>
    %dma_start3A_233 = arith.constant 0 : i32
    %dma_start3A_234 = tpu.memref_slice %arg4[%add3A_225, %dma_start3A_233] : memref<204800x128xf32, #tpu.memory_space<hbm>> -> memref<128x128xf32, #tpu.memory_space<hbm>>
    %dma_start3A_235 = arith.constant 0 : i32
    %dma_start3A_236 = arith.constant 0 : i32
    %dma_start3A_237 = tpu.memref_slice %arg6[%dma_start3A_226, %dma_start3A_235, %dma_start3A_236] : memref<6x128x128xf32, #tpu.memory_space<vmem>> -> memref<1x128x128xf32, #tpu.memory_space<vmem>>
    %dma_start3A_238 = tpu.memref_squeeze %dma_start3A_237 : memref<1x128x128xf32, #tpu.memory_space<vmem>> -> memref<128x128xf32, #tpu.memory_space<vmem>>
    tpu.enqueue_dma source(%dma_start3A_238 : memref<128x128xf32, #tpu.memory_space<vmem>>) target(%dma_start3A_234 : memref<128x128xf32, #tpu.memory_space<hbm>>) target_semaphore(%arg8 : memref<!tpu.dma_semaphore, #tpu.memory_space<semaphore_mem>>)
    %dma_start3A_239 = arith.constant 49 : i32
    %dma_start3A_240 = arith.constant 1 : i32
    %dma_start3A_241 = arith.constant 0 : i32
    %dma_start3A_242 = arith.constant 0 : i32
    %dma_start3A_243 = tpu.memref_slice %arg6[%dma_start3A_240, %dma_start3A_241, %dma_start3A_242] : memref<6x128x128xf32, #tpu.memory_space<vmem>> -> memref<1x128x128xf32, #tpu.memory_space<vmem>>
    %dma_start3A_244 = tpu.memref_squeeze %dma_start3A_243 : memref<1x128x128xf32, #tpu.memory_space<vmem>> -> memref<128x128xf32, #tpu.memory_space<vmem>>
    %dma_start3A_245 = arith.constant 0 : i32
    %dma_start3A_246 = tpu.memref_slice %arg5[%dma_start3A_239, %dma_start3A_245] : memref<50x128xi32, #tpu.memory_space<vmem>> -> memref<1x128xi32, #tpu.memory_space<vmem>>
    %dma_start3A_247 = tpu.memref_squeeze %dma_start3A_246 : memref<1x128xi32, #tpu.memory_space<vmem>> -> memref<128xi32, #tpu.memory_space<vmem>>
    %dma_start3A_248 = arith.constant 0 : i32
    %dma_start3A_249 = arith.constant 0 : i32
    %dma_start3A_250 = tpu.memref_slice %arg3[%dma_start3A_248, %dma_start3A_249] : memref<100000x128xf32, #tpu.memory_space<hbm>> -> memref<100000x128xf32, #tpu.memory_space<hbm>>
    tpu.enqueue_indirect_dma source(%dma_start3A_250 : memref<100000x128xf32, #tpu.memory_space<hbm>>) target(%dma_start3A_244 : memref<128x128xf32, #tpu.memory_space<vmem>>) offsets(%dma_start3A_247 : memref<128xi32, #tpu.memory_space<vmem>>) semaphore(%arg7 : memref<!tpu.dma_semaphore, #tpu.memory_space<semaphore_mem>>)
    %dma_wait3A_251 = arith.constant 4 : i32
    %dma_wait3A_252 = arith.constant 0 : i32
    %dma_wait3A_253 = arith.constant 0 : i32
    %dma_wait3A_254 = tpu.memref_slice %arg6[%dma_wait3A_251, %dma_wait3A_252, %dma_wait3A_253] : memref<6x128x128xf32, #tpu.memory_space<vmem>> -> memref<1x128x128xf32, #tpu.memory_space<vmem>>
    %dma_wait3A_255 = tpu.memref_squeeze %dma_wait3A_254 : memref<1x128x128xf32, #tpu.memory_space<vmem>> -> memref<128x128xf32, #tpu.memory_space<vmem>>
    %dma_wait3A_256 = arith.constant 0 : i32
    %dma_wait3A_257 = arith.constant 0 : i32
    %dma_wait3A_258 = tpu.memref_slice %arg3[%dma_wait3A_256, %dma_wait3A_257] : memref<100000x128xf32, #tpu.memory_space<hbm>> -> memref<128x128xf32, #tpu.memory_space<hbm>>
    %dma_wait3A_259 = arith.constant 0 : i32
    %dma_wait3A_260 = arith.constant 0 : i32
    %dma_wait3A_261 = tpu.memref_slice %arg6[%dma_wait3A_251, %dma_wait3A_259, %dma_wait3A_260] : memref<6x128x128xf32, #tpu.memory_space<vmem>> -> memref<1x128x128xf32, #tpu.memory_space<vmem>>
    %dma_wait3A_262 = tpu.memref_squeeze %dma_wait3A_261 : memref<1x128x128xf32, #tpu.memory_space<vmem>> -> memref<128x128xf32, #tpu.memory_space<vmem>>
    %dma_wait3A_263 = arith.constant 0 : i32
    %dma_wait3A_264 = arith.constant 0 : i32
    %dma_wait3A_265 = tpu.memref_slice %arg3[%dma_wait3A_263, %dma_wait3A_264] : memref<100000x128xf32, #tpu.memory_space<hbm>> -> memref<128x128xf32, #tpu.memory_space<hbm>>
    tpu.wait_dma2 semaphore(%arg7 : memref<!tpu.dma_semaphore, #tpu.memory_space<semaphore_mem>>) src(%dma_wait3A_265 : memref<128x128xf32, #tpu.memory_space<hbm>>) dst(%dma_wait3A_262 : memref<128x128xf32, #tpu.memory_space<vmem>>)
    %dma_wait3A_266 = arith.constant 0 : i32
    %dma_wait3A_267 = arith.constant 0 : i32
    %dma_wait3A_268 = arith.constant 0 : i32
    %dma_wait3A_269 = tpu.memref_slice %arg6[%dma_wait3A_266, %dma_wait3A_267, %dma_wait3A_268] : memref<6x128x128xf32, #tpu.memory_space<vmem>> -> memref<1x128x128xf32, #tpu.memory_space<vmem>>
    %dma_wait3A_270 = tpu.memref_squeeze %dma_wait3A_269 : memref<1x128x128xf32, #tpu.memory_space<vmem>> -> memref<128x128xf32, #tpu.memory_space<vmem>>
    %dma_wait3A_271 = arith.constant 0 : i32
    %dma_wait3A_272 = arith.constant 0 : i32
    %dma_wait3A_273 = tpu.memref_slice %arg4[%dma_wait3A_271, %dma_wait3A_272] : memref<204800x128xf32, #tpu.memory_space<hbm>> -> memref<128x128xf32, #tpu.memory_space<hbm>>
    %dma_wait3A_274 = arith.constant 0 : i32
    %dma_wait3A_275 = arith.constant 0 : i32
    %dma_wait3A_276 = tpu.memref_slice %arg4[%dma_wait3A_274, %dma_wait3A_275] : memref<204800x128xf32, #tpu.memory_space<hbm>> -> memref<128x128xf32, #tpu.memory_space<hbm>>
    %dma_wait3A_277 = arith.constant 0 : i32
    %dma_wait3A_278 = arith.constant 0 : i32
    %dma_wait3A_279 = tpu.memref_slice %arg6[%dma_wait3A_266, %dma_wait3A_277, %dma_wait3A_278] : memref<6x128x128xf32, #tpu.memory_space<vmem>> -> memref<1x128x128xf32, #tpu.memory_space<vmem>>
    %dma_wait3A_280 = tpu.memref_squeeze %dma_wait3A_279 : memref<1x128x128xf32, #tpu.memory_space<vmem>> -> memref<128x128xf32, #tpu.memory_space<vmem>>
    tpu.wait_dma2 semaphore(%arg8 : memref<!tpu.dma_semaphore, #tpu.memory_space<semaphore_mem>>) src(%dma_wait3A_280 : memref<128x128xf32, #tpu.memory_space<vmem>>) dst(%dma_wait3A_276 : memref<128x128xf32, #tpu.memory_space<hbm>>)
    %add3A_281 = arith.constant 5888 : i32
    %add3A_282 = arith.addi %mul3A_2, %add3A_281 : i32
    %dma_start3A_283 = arith.constant 4 : i32
    %dma_start3A_284 = arith.constant 0 : i32
    %dma_start3A_285 = arith.constant 0 : i32
    %dma_start3A_286 = tpu.memref_slice %arg6[%dma_start3A_283, %dma_start3A_284, %dma_start3A_285] : memref<6x128x128xf32, #tpu.memory_space<vmem>> -> memref<1x128x128xf32, #tpu.memory_space<vmem>>
    %dma_start3A_287 = tpu.memref_squeeze %dma_start3A_286 : memref<1x128x128xf32, #tpu.memory_space<vmem>> -> memref<128x128xf32, #tpu.memory_space<vmem>>
    %dma_start3A_288 = arith.constant 0 : i32
    %dma_start3A_289 = tpu.memref_slice %arg4[%add3A_282, %dma_start3A_288] : memref<204800x128xf32, #tpu.memory_space<hbm>> -> memref<128x128xf32, #tpu.memory_space<hbm>>
    %dma_start3A_290 = arith.constant 0 : i32
    %dma_start3A_291 = tpu.memref_slice %arg4[%add3A_282, %dma_start3A_290] : memref<204800x128xf32, #tpu.memory_space<hbm>> -> memref<128x128xf32, #tpu.memory_space<hbm>>
    %dma_start3A_292 = arith.constant 0 : i32
    %dma_start3A_293 = arith.constant 0 : i32
    %dma_start3A_294 = tpu.memref_slice %arg6[%dma_start3A_283, %dma_start3A_292, %dma_start3A_293] : memref<6x128x128xf32, #tpu.memory_space<vmem>> -> memref<1x128x128xf32, #tpu.memory_space<vmem>>
    %dma_start3A_295 = tpu.memref_squeeze %dma_start3A_294 : memref<1x128x128xf32, #tpu.memory_space<vmem>> -> memref<128x128xf32, #tpu.memory_space<vmem>>
    tpu.enqueue_dma source(%dma_start3A_295 : memref<128x128xf32, #tpu.memory_space<vmem>>) target(%dma_start3A_291 : memref<128x128xf32, #tpu.memory_space<hbm>>) target_semaphore(%arg8 : memref<!tpu.dma_semaphore, #tpu.memory_space<semaphore_mem>>)
    %dma_wait3A_296 = arith.constant 5 : i32
    %dma_wait3A_297 = arith.constant 0 : i32
    %dma_wait3A_298 = arith.constant 0 : i32
    %dma_wait3A_299 = tpu.memref_slice %arg6[%dma_wait3A_296, %dma_wait3A_297, %dma_wait3A_298] : memref<6x128x128xf32, #tpu.memory_space<vmem>> -> memref<1x128x128xf32, #tpu.memory_space<vmem>>
    %dma_wait3A_300 = tpu.memref_squeeze %dma_wait3A_299 : memref<1x128x128xf32, #tpu.memory_space<vmem>> -> memref<128x128xf32, #tpu.memory_space<vmem>>
    %dma_wait3A_301 = arith.constant 0 : i32
    %dma_wait3A_302 = arith.constant 0 : i32
    %dma_wait3A_303 = tpu.memref_slice %arg3[%dma_wait3A_301, %dma_wait3A_302] : memref<100000x128xf32, #tpu.memory_space<hbm>> -> memref<128x128xf32, #tpu.memory_space<hbm>>
    %dma_wait3A_304 = arith.constant 0 : i32
    %dma_wait3A_305 = arith.constant 0 : i32
    %dma_wait3A_306 = tpu.memref_slice %arg6[%dma_wait3A_296, %dma_wait3A_304, %dma_wait3A_305] : memref<6x128x128xf32, #tpu.memory_space<vmem>> -> memref<1x128x128xf32, #tpu.memory_space<vmem>>
    %dma_wait3A_307 = tpu.memref_squeeze %dma_wait3A_306 : memref<1x128x128xf32, #tpu.memory_space<vmem>> -> memref<128x128xf32, #tpu.memory_space<vmem>>
    %dma_wait3A_308 = arith.constant 0 : i32
    %dma_wait3A_309 = arith.constant 0 : i32
    %dma_wait3A_310 = tpu.memref_slice %arg3[%dma_wait3A_308, %dma_wait3A_309] : memref<100000x128xf32, #tpu.memory_space<hbm>> -> memref<128x128xf32, #tpu.memory_space<hbm>>
    tpu.wait_dma2 semaphore(%arg7 : memref<!tpu.dma_semaphore, #tpu.memory_space<semaphore_mem>>) src(%dma_wait3A_310 : memref<128x128xf32, #tpu.memory_space<hbm>>) dst(%dma_wait3A_307 : memref<128x128xf32, #tpu.memory_space<vmem>>)
    %dma_wait3A_311 = arith.constant 0 : i32
    %dma_wait3A_312 = arith.constant 0 : i32
    %dma_wait3A_313 = arith.constant 0 : i32
    %dma_wait3A_314 = tpu.memref_slice %arg6[%dma_wait3A_311, %dma_wait3A_312, %dma_wait3A_313] : memref<6x128x128xf32, #tpu.memory_space<vmem>> -> memref<1x128x128xf32, #tpu.memory_space<vmem>>
    %dma_wait3A_315 = tpu.memref_squeeze %dma_wait3A_314 : memref<1x128x128xf32, #tpu.memory_space<vmem>> -> memref<128x128xf32, #tpu.memory_space<vmem>>
    %dma_wait3A_316 = arith.constant 0 : i32
    %dma_wait3A_317 = arith.constant 0 : i32
    %dma_wait3A_318 = tpu.memref_slice %arg4[%dma_wait3A_316, %dma_wait3A_317] : memref<204800x128xf32, #tpu.memory_space<hbm>> -> memref<128x128xf32, #tpu.memory_space<hbm>>
    %dma_wait3A_319 = arith.constant 0 : i32
    %dma_wait3A_320 = arith.constant 0 : i32
    %dma_wait3A_321 = tpu.memref_slice %arg4[%dma_wait3A_319, %dma_wait3A_320] : memref<204800x128xf32, #tpu.memory_space<hbm>> -> memref<128x128xf32, #tpu.memory_space<hbm>>
    %dma_wait3A_322 = arith.constant 0 : i32
    %dma_wait3A_323 = arith.constant 0 : i32
    %dma_wait3A_324 = tpu.memref_slice %arg6[%dma_wait3A_311, %dma_wait3A_322, %dma_wait3A_323] : memref<6x128x128xf32, #tpu.memory_space<vmem>> -> memref<1x128x128xf32, #tpu.memory_space<vmem>>
    %dma_wait3A_325 = tpu.memref_squeeze %dma_wait3A_324 : memref<1x128x128xf32, #tpu.memory_space<vmem>> -> memref<128x128xf32, #tpu.memory_space<vmem>>
    tpu.wait_dma2 semaphore(%arg8 : memref<!tpu.dma_semaphore, #tpu.memory_space<semaphore_mem>>) src(%dma_wait3A_325 : memref<128x128xf32, #tpu.memory_space<vmem>>) dst(%dma_wait3A_321 : memref<128x128xf32, #tpu.memory_space<hbm>>)
    %add3A_326 = arith.constant 6016 : i32
    %add3A_327 = arith.addi %mul3A_2, %add3A_326 : i32
    %dma_start3A_328 = arith.constant 5 : i32
    %dma_start3A_329 = arith.constant 0 : i32
    %dma_start3A_330 = arith.constant 0 : i32
    %dma_start3A_331 = tpu.memref_slice %arg6[%dma_start3A_328, %dma_start3A_329, %dma_start3A_330] : memref<6x128x128xf32, #tpu.memory_space<vmem>> -> memref<1x128x128xf32, #tpu.memory_space<vmem>>
    %dma_start3A_332 = tpu.memref_squeeze %dma_start3A_331 : memref<1x128x128xf32, #tpu.memory_space<vmem>> -> memref<128x128xf32, #tpu.memory_space<vmem>>
    %dma_start3A_333 = arith.constant 0 : i32
    %dma_start3A_334 = tpu.memref_slice %arg4[%add3A_327, %dma_start3A_333] : memref<204800x128xf32, #tpu.memory_space<hbm>> -> memref<128x128xf32, #tpu.memory_space<hbm>>
    %dma_start3A_335 = arith.constant 0 : i32
    %dma_start3A_336 = tpu.memref_slice %arg4[%add3A_327, %dma_start3A_335] : memref<204800x128xf32, #tpu.memory_space<hbm>> -> memref<128x128xf32, #tpu.memory_space<hbm>>
    %dma_start3A_337 = arith.constant 0 : i32
    %dma_start3A_338 = arith.constant 0 : i32
    %dma_start3A_339 = tpu.memref_slice %arg6[%dma_start3A_328, %dma_start3A_337, %dma_start3A_338] : memref<6x128x128xf32, #tpu.memory_space<vmem>> -> memref<1x128x128xf32, #tpu.memory_space<vmem>>
    %dma_start3A_340 = tpu.memref_squeeze %dma_start3A_339 : memref<1x128x128xf32, #tpu.memory_space<vmem>> -> memref<128x128xf32, #tpu.memory_space<vmem>>
    tpu.enqueue_dma source(%dma_start3A_340 : memref<128x128xf32, #tpu.memory_space<vmem>>) target(%dma_start3A_336 : memref<128x128xf32, #tpu.memory_space<hbm>>) target_semaphore(%arg8 : memref<!tpu.dma_semaphore, #tpu.memory_space<semaphore_mem>>)
    %dma_wait3A_341 = arith.constant 0 : i32
    %dma_wait3A_342 = arith.constant 0 : i32
    %dma_wait3A_343 = arith.constant 0 : i32
    %dma_wait3A_344 = tpu.memref_slice %arg6[%dma_wait3A_341, %dma_wait3A_342, %dma_wait3A_343] : memref<6x128x128xf32, #tpu.memory_space<vmem>> -> memref<1x128x128xf32, #tpu.memory_space<vmem>>
    %dma_wait3A_345 = tpu.memref_squeeze %dma_wait3A_344 : memref<1x128x128xf32, #tpu.memory_space<vmem>> -> memref<128x128xf32, #tpu.memory_space<vmem>>
    %dma_wait3A_346 = arith.constant 0 : i32
    %dma_wait3A_347 = arith.constant 0 : i32
    %dma_wait3A_348 = tpu.memref_slice %arg3[%dma_wait3A_346, %dma_wait3A_347] : memref<100000x128xf32, #tpu.memory_space<hbm>> -> memref<128x128xf32, #tpu.memory_space<hbm>>
    %dma_wait3A_349 = arith.constant 0 : i32
    %dma_wait3A_350 = arith.constant 0 : i32
    %dma_wait3A_351 = tpu.memref_slice %arg6[%dma_wait3A_341, %dma_wait3A_349, %dma_wait3A_350] : memref<6x128x128xf32, #tpu.memory_space<vmem>> -> memref<1x128x128xf32, #tpu.memory_space<vmem>>
    %dma_wait3A_352 = tpu.memref_squeeze %dma_wait3A_351 : memref<1x128x128xf32, #tpu.memory_space<vmem>> -> memref<128x128xf32, #tpu.memory_space<vmem>>
    %dma_wait3A_353 = arith.constant 0 : i32
    %dma_wait3A_354 = arith.constant 0 : i32
    %dma_wait3A_355 = tpu.memref_slice %arg3[%dma_wait3A_353, %dma_wait3A_354] : memref<100000x128xf32, #tpu.memory_space<hbm>> -> memref<128x128xf32, #tpu.memory_space<hbm>>
    tpu.wait_dma2 semaphore(%arg7 : memref<!tpu.dma_semaphore, #tpu.memory_space<semaphore_mem>>) src(%dma_wait3A_355 : memref<128x128xf32, #tpu.memory_space<hbm>>) dst(%dma_wait3A_352 : memref<128x128xf32, #tpu.memory_space<vmem>>)
    %dma_wait3A_356 = arith.constant 0 : i32
    %dma_wait3A_357 = arith.constant 0 : i32
    %dma_wait3A_358 = arith.constant 0 : i32
    %dma_wait3A_359 = tpu.memref_slice %arg6[%dma_wait3A_356, %dma_wait3A_357, %dma_wait3A_358] : memref<6x128x128xf32, #tpu.memory_space<vmem>> -> memref<1x128x128xf32, #tpu.memory_space<vmem>>
    %dma_wait3A_360 = tpu.memref_squeeze %dma_wait3A_359 : memref<1x128x128xf32, #tpu.memory_space<vmem>> -> memref<128x128xf32, #tpu.memory_space<vmem>>
    %dma_wait3A_361 = arith.constant 0 : i32
    %dma_wait3A_362 = arith.constant 0 : i32
    %dma_wait3A_363 = tpu.memref_slice %arg4[%dma_wait3A_361, %dma_wait3A_362] : memref<204800x128xf32, #tpu.memory_space<hbm>> -> memref<128x128xf32, #tpu.memory_space<hbm>>
    %dma_wait3A_364 = arith.constant 0 : i32
    %dma_wait3A_365 = arith.constant 0 : i32
    %dma_wait3A_366 = tpu.memref_slice %arg4[%dma_wait3A_364, %dma_wait3A_365] : memref<204800x128xf32, #tpu.memory_space<hbm>> -> memref<128x128xf32, #tpu.memory_space<hbm>>
    %dma_wait3A_367 = arith.constant 0 : i32
    %dma_wait3A_368 = arith.constant 0 : i32
    %dma_wait3A_369 = tpu.memref_slice %arg6[%dma_wait3A_356, %dma_wait3A_367, %dma_wait3A_368] : memref<6x128x128xf32, #tpu.memory_space<vmem>> -> memref<1x128x128xf32, #tpu.memory_space<vmem>>
    %dma_wait3A_370 = tpu.memref_squeeze %dma_wait3A_369 : memref<1x128x128xf32, #tpu.memory_space<vmem>> -> memref<128x128xf32, #tpu.memory_space<vmem>>
    tpu.wait_dma2 semaphore(%arg8 : memref<!tpu.dma_semaphore, #tpu.memory_space<semaphore_mem>>) src(%dma_wait3A_370 : memref<128x128xf32, #tpu.memory_space<vmem>>) dst(%dma_wait3A_366 : memref<128x128xf32, #tpu.memory_space<hbm>>)
    %add3A_371 = arith.constant 6144 : i32
    %add3A_372 = arith.addi %mul3A_2, %add3A_371 : i32
    %dma_start3A_373 = arith.constant 0 : i32
    %dma_start3A_374 = arith.constant 0 : i32
    %dma_start3A_375 = arith.constant 0 : i32
    %dma_start3A_376 = tpu.memref_slice %arg6[%dma_start3A_373, %dma_start3A_374, %dma_start3A_375] : memref<6x128x128xf32, #tpu.memory_space<vmem>> -> memref<1x128x128xf32, #tpu.memory_space<vmem>>
    %dma_start3A_377 = tpu.memref_squeeze %dma_start3A_376 : memref<1x128x128xf32, #tpu.memory_space<vmem>> -> memref<128x128xf32, #tpu.memory_space<vmem>>
    %dma_start3A_378 = arith.constant 0 : i32
    %dma_start3A_379 = tpu.memref_slice %arg4[%add3A_372, %dma_start3A_378] : memref<204800x128xf32, #tpu.memory_space<hbm>> -> memref<128x128xf32, #tpu.memory_space<hbm>>
    %dma_start3A_380 = arith.constant 0 : i32
    %dma_start3A_381 = tpu.memref_slice %arg4[%add3A_372, %dma_start3A_380] : memref<204800x128xf32, #tpu.memory_space<hbm>> -> memref<128x128xf32, #tpu.memory_space<hbm>>
    %dma_start3A_382 = arith.constant 0 : i32
    %dma_start3A_383 = arith.constant 0 : i32
    %dma_start3A_384 = tpu.memref_slice %arg6[%dma_start3A_373, %dma_start3A_382, %dma_start3A_383] : memref<6x128x128xf32, #tpu.memory_space<vmem>> -> memref<1x128x128xf32, #tpu.memory_space<vmem>>
    %dma_start3A_385 = tpu.memref_squeeze %dma_start3A_384 : memref<1x128x128xf32, #tpu.memory_space<vmem>> -> memref<128x128xf32, #tpu.memory_space<vmem>>
    tpu.enqueue_dma source(%dma_start3A_385 : memref<128x128xf32, #tpu.memory_space<vmem>>) target(%dma_start3A_381 : memref<128x128xf32, #tpu.memory_space<hbm>>) target_semaphore(%arg8 : memref<!tpu.dma_semaphore, #tpu.memory_space<semaphore_mem>>)
    %dma_wait3A_386 = arith.constant 1 : i32
    %dma_wait3A_387 = arith.constant 0 : i32
    %dma_wait3A_388 = arith.constant 0 : i32
    %dma_wait3A_389 = tpu.memref_slice %arg6[%dma_wait3A_386, %dma_wait3A_387, %dma_wait3A_388] : memref<6x128x128xf32, #tpu.memory_space<vmem>> -> memref<1x128x128xf32, #tpu.memory_space<vmem>>
    %dma_wait3A_390 = tpu.memref_squeeze %dma_wait3A_389 : memref<1x128x128xf32, #tpu.memory_space<vmem>> -> memref<128x128xf32, #tpu.memory_space<vmem>>
    %dma_wait3A_391 = arith.constant 0 : i32
    %dma_wait3A_392 = arith.constant 0 : i32
    %dma_wait3A_393 = tpu.memref_slice %arg3[%dma_wait3A_391, %dma_wait3A_392] : memref<100000x128xf32, #tpu.memory_space<hbm>> -> memref<128x128xf32, #tpu.memory_space<hbm>>
    %dma_wait3A_394 = arith.constant 0 : i32
    %dma_wait3A_395 = arith.constant 0 : i32
    %dma_wait3A_396 = tpu.memref_slice %arg6[%dma_wait3A_386, %dma_wait3A_394, %dma_wait3A_395] : memref<6x128x128xf32, #tpu.memory_space<vmem>> -> memref<1x128x128xf32, #tpu.memory_space<vmem>>
    %dma_wait3A_397 = tpu.memref_squeeze %dma_wait3A_396 : memref<1x128x128xf32, #tpu.memory_space<vmem>> -> memref<128x128xf32, #tpu.memory_space<vmem>>
    %dma_wait3A_398 = arith.constant 0 : i32
    %dma_wait3A_399 = arith.constant 0 : i32
    %dma_wait3A_400 = tpu.memref_slice %arg3[%dma_wait3A_398, %dma_wait3A_399] : memref<100000x128xf32, #tpu.memory_space<hbm>> -> memref<128x128xf32, #tpu.memory_space<hbm>>
    tpu.wait_dma2 semaphore(%arg7 : memref<!tpu.dma_semaphore, #tpu.memory_space<semaphore_mem>>) src(%dma_wait3A_400 : memref<128x128xf32, #tpu.memory_space<hbm>>) dst(%dma_wait3A_397 : memref<128x128xf32, #tpu.memory_space<vmem>>)
    %dma_wait3A_401 = arith.constant 0 : i32
    %dma_wait3A_402 = arith.constant 0 : i32
    %dma_wait3A_403 = arith.constant 0 : i32
    %dma_wait3A_404 = tpu.memref_slice %arg6[%dma_wait3A_401, %dma_wait3A_402, %dma_wait3A_403] : memref<6x128x128xf32, #tpu.memory_space<vmem>> -> memref<1x128x128xf32, #tpu.memory_space<vmem>>
    %dma_wait3A_405 = tpu.memref_squeeze %dma_wait3A_404 : memref<1x128x128xf32, #tpu.memory_space<vmem>> -> memref<128x128xf32, #tpu.memory_space<vmem>>
    %dma_wait3A_406 = arith.constant 0 : i32
    %dma_wait3A_407 = arith.constant 0 : i32
    %dma_wait3A_408 = tpu.memref_slice %arg4[%dma_wait3A_406, %dma_wait3A_407] : memref<204800x128xf32, #tpu.memory_space<hbm>> -> memref<128x128xf32, #tpu.memory_space<hbm>>
    %dma_wait3A_409 = arith.constant 0 : i32
    %dma_wait3A_410 = arith.constant 0 : i32
    %dma_wait3A_411 = tpu.memref_slice %arg4[%dma_wait3A_409, %dma_wait3A_410] : memref<204800x128xf32, #tpu.memory_space<hbm>> -> memref<128x128xf32, #tpu.memory_space<hbm>>
    %dma_wait3A_412 = arith.constant 0 : i32
    %dma_wait3A_413 = arith.constant 0 : i32
    %dma_wait3A_414 = tpu.memref_slice %arg6[%dma_wait3A_401, %dma_wait3A_412, %dma_wait3A_413] : memref<6x128x128xf32, #tpu.memory_space<vmem>> -> memref<1x128x128xf32, #tpu.memory_space<vmem>>
    %dma_wait3A_415 = tpu.memref_squeeze %dma_wait3A_414 : memref<1x128x128xf32, #tpu.memory_space<vmem>> -> memref<128x128xf32, #tpu.memory_space<vmem>>
    tpu.wait_dma2 semaphore(%arg8 : memref<!tpu.dma_semaphore, #tpu.memory_space<semaphore_mem>>) src(%dma_wait3A_415 : memref<128x128xf32, #tpu.memory_space<vmem>>) dst(%dma_wait3A_411 : memref<128x128xf32, #tpu.memory_space<hbm>>)
    %add3A_416 = arith.constant 6272 : i32
    %add3A_417 = arith.addi %mul3A_2, %add3A_416 : i32
    %dma_start3A_418 = arith.constant 1 : i32
    %dma_start3A_419 = arith.constant 0 : i32
    %dma_start3A_420 = arith.constant 0 : i32
    %dma_start3A_421 = tpu.memref_slice %arg6[%dma_start3A_418, %dma_start3A_419, %dma_start3A_420] : memref<6x128x128xf32, #tpu.memory_space<vmem>> -> memref<1x128x128xf32, #tpu.memory_space<vmem>>
    %dma_start3A_422 = tpu.memref_squeeze %dma_start3A_421 : memref<1x128x128xf32, #tpu.memory_space<vmem>> -> memref<128x128xf32, #tpu.memory_space<vmem>>
    %dma_start3A_423 = arith.constant 0 : i32
    %dma_start3A_424 = tpu.memref_slice %arg4[%add3A_417, %dma_start3A_423] : memref<204800x128xf32, #tpu.memory_space<hbm>> -> memref<128x128xf32, #tpu.memory_space<hbm>>
    %dma_start3A_425 = arith.constant 0 : i32
    %dma_start3A_426 = tpu.memref_slice %arg4[%add3A_417, %dma_start3A_425] : memref<204800x128xf32, #tpu.memory_space<hbm>> -> memref<128x128xf32, #tpu.memory_space<hbm>>
    %dma_start3A_427 = arith.constant 0 : i32
    %dma_start3A_428 = arith.constant 0 : i32
    %dma_start3A_429 = tpu.memref_slice %arg6[%dma_start3A_418, %dma_start3A_427, %dma_start3A_428] : memref<6x128x128xf32, #tpu.memory_space<vmem>> -> memref<1x128x128xf32, #tpu.memory_space<vmem>>
    %dma_start3A_430 = tpu.memref_squeeze %dma_start3A_429 : memref<1x128x128xf32, #tpu.memory_space<vmem>> -> memref<128x128xf32, #tpu.memory_space<vmem>>
    tpu.enqueue_dma source(%dma_start3A_430 : memref<128x128xf32, #tpu.memory_space<vmem>>) target(%dma_start3A_426 : memref<128x128xf32, #tpu.memory_space<hbm>>) target_semaphore(%arg8 : memref<!tpu.dma_semaphore, #tpu.memory_space<semaphore_mem>>)
    %dma_wait3A_431 = arith.constant 0 : i32
    %dma_wait3A_432 = arith.constant 0 : i32
    %dma_wait3A_433 = arith.constant 0 : i32
    %dma_wait3A_434 = tpu.memref_slice %arg6[%dma_wait3A_431, %dma_wait3A_432, %dma_wait3A_433] : memref<6x128x128xf32, #tpu.memory_space<vmem>> -> memref<1x128x128xf32, #tpu.memory_space<vmem>>
    %dma_wait3A_435 = tpu.memref_squeeze %dma_wait3A_434 : memref<1x128x128xf32, #tpu.memory_space<vmem>> -> memref<128x128xf32, #tpu.memory_space<vmem>>
    %dma_wait3A_436 = arith.constant 0 : i32
    %dma_wait3A_437 = arith.constant 0 : i32
    %dma_wait3A_438 = tpu.memref_slice %arg4[%dma_wait3A_436, %dma_wait3A_437] : memref<204800x128xf32, #tpu.memory_space<hbm>> -> memref<128x128xf32, #tpu.memory_space<hbm>>
    %dma_wait3A_439 = arith.constant 0 : i32
    %dma_wait3A_440 = arith.constant 0 : i32
    %dma_wait3A_441 = tpu.memref_slice %arg4[%dma_wait3A_439, %dma_wait3A_440] : memref<204800x128xf32, #tpu.memory_space<hbm>> -> memref<128x128xf32, #tpu.memory_space<hbm>>
    %dma_wait3A_442 = arith.constant 0 : i32
    %dma_wait3A_443 = arith.constant 0 : i32
    %dma_wait3A_444 = tpu.memref_slice %arg6[%dma_wait3A_431, %dma_wait3A_442, %dma_wait3A_443] : memref<6x128x128xf32, #tpu.memory_space<vmem>> -> memref<1x128x128xf32, #tpu.memory_space<vmem>>
    %dma_wait3A_445 = tpu.memref_squeeze %dma_wait3A_444 : memref<1x128x128xf32, #tpu.memory_space<vmem>> -> memref<128x128xf32, #tpu.memory_space<vmem>>
    tpu.wait_dma2 semaphore(%arg8 : memref<!tpu.dma_semaphore, #tpu.memory_space<semaphore_mem>>) src(%dma_wait3A_445 : memref<128x128xf32, #tpu.memory_space<vmem>>) dst(%dma_wait3A_441 : memref<128x128xf32, #tpu.memory_space<hbm>>)
    %dma_wait3A_446 = arith.constant 0 : i32
    %dma_wait3A_447 = arith.constant 0 : i32
    %dma_wait3A_448 = arith.constant 0 : i32
    %dma_wait3A_449 = tpu.memref_slice %arg6[%dma_wait3A_446, %dma_wait3A_447, %dma_wait3A_448] : memref<6x128x128xf32, #tpu.memory_space<vmem>> -> memref<1x128x128xf32, #tpu.memory_space<vmem>>
    %dma_wait3A_450 = tpu.memref_squeeze %dma_wait3A_449 : memref<1x128x128xf32, #tpu.memory_space<vmem>> -> memref<128x128xf32, #tpu.memory_space<vmem>>
    %dma_wait3A_451 = arith.constant 0 : i32
    %dma_wait3A_452 = arith.constant 0 : i32
    %dma_wait3A_453 = tpu.memref_slice %arg4[%dma_wait3A_451, %dma_wait3A_452] : memref<204800x128xf32, #tpu.memory_space<hbm>> -> memref<128x128xf32, #tpu.memory_space<hbm>>
    %dma_wait3A_454 = arith.constant 0 : i32
    %dma_wait3A_455 = arith.constant 0 : i32
    %dma_wait3A_456 = tpu.memref_slice %arg4[%dma_wait3A_454, %dma_wait3A_455] : memref<204800x128xf32, #tpu.memory_space<hbm>> -> memref<128x128xf32, #tpu.memory_space<hbm>>
    %dma_wait3A_457 = arith.constant 0 : i32
    %dma_wait3A_458 = arith.constant 0 : i32
    %dma_wait3A_459 = tpu.memref_slice %arg6[%dma_wait3A_446, %dma_wait3A_457, %dma_wait3A_458] : memref<6x128x128xf32, #tpu.memory_space<vmem>> -> memref<1x128x128xf32, #tpu.memory_space<vmem>>
    %dma_wait3A_460 = tpu.memref_squeeze %dma_wait3A_459 : memref<1x128x128xf32, #tpu.memory_space<vmem>> -> memref<128x128xf32, #tpu.memory_space<vmem>>
    tpu.wait_dma2 semaphore(%arg8 : memref<!tpu.dma_semaphore, #tpu.memory_space<semaphore_mem>>) src(%dma_wait3A_460 : memref<128x128xf32, #tpu.memory_space<vmem>>) dst(%dma_wait3A_456 : memref<128x128xf32, #tpu.memory_space<hbm>>)
    return
  }
}

</mosaic_0001>

<sc_bundles>
// kernel: kernel.3.cloned.1.call-start
scs
__scs_entry_jumppad:
0x0: {  	(pc) =	sbr.rel $0x88, $3  }
0x1: {  	(tag) =	ssettag $0x0;
	lr =	simm.s32 $0x1  }
0x2: {  	[smem:$0x3F9F] =	sst lr;
	_ =	strace $0xD0000000  }
0x3: {  	_ = 	snop  }
0x4: {  	_ = 	snop  }
0x5: {  	_ = 	snop  }
0x6: {  	_ = 	snop  }
0x7: {  	_ = 	snop  }
__scs_overlays_trampoline_lowered:
0x8: {  	[smem:$0x3FAE] =	sst s0  }
0x9: {  	[smem:$0x3FAF] =	sst s1  }
0xa: {  	[smem:$0x3FB0] =	sst s2  }
0xb: {  	[smem:$0x3FB1] =	sst s3  }
0xc: {  	[smem:$0x3FB2] =	sst s4  }
0xd: {  	[smem:$0x3FB3] =	sst s5  }
0xe: {  	[smem:$0x3FB4] =	sst s6  }
0xf: {  	[smem:$0x3FB5] =	sst s7  }
0x10: {  	[smem:$0x3FB6] =	sst s8  }
0x11: {  	[smem:$0x3FB7] =	sst s9;
	s0 =	simm.s32 @!p0 $0x0  }
0x12: {  	s1 =	sld [smem:$0x3F9D];
	s0 =	simm.s32 @p0 $0x1  }
0x13: {  	[smem:$0x3FB8] =	sst s0;
	s0 =	simm.s32 @!p1 $0x0  }
0x14: {  	s2 =	sld [smem:$0x3F9C];
	s0 =	simm.s32 @p1 $0x1  }
0x15: {  	[smem:$0x3FB9] =	sst s0;
	s0 =	simm.s32 @!p2 $0x0  }
0x16: {  	s3 =	sld [smem:$0x3FDB];
	s0 =	simm.s32 @p2 $0x1  }
0x17: {  	s4 =	simm.s32 $0x1BF5;
	[smem:$0x3FBB] =	sst s0  }
0x18: {  	s0 =	sld [smem:$0x3F9E];
	_ =	swait.ge [sflag:s4], $0x0  }
0x19: {  	s7 =	sld [smem:$0x3F9F]  }
0x1a: {  	s8 =	sadd.s32 $0xFFFFE003, lr  }
0x1b: {  	s9 =	sadd.s32 $0xFFFFFEF7, lr;
	s5 =	simm.s32 $0xFFFFFFFF;
	p2 =	slt.u32 s8, $0xFFFFF086  }
0x1c: {  	p1 =	slt.u32 s9, $0xF7A;
	s5 =	simm.s32 @!p2 $0x0  }
0x1d: {  	s5 =	simm.s32 @p1 $0x1;
	p0 =	seq.s32 s7, s2  }
0x1e: {  	s7 =	smul.u32 @!p0 $0xF7A, s2;
	p2 =	seq.s32 @!p0 s5, $0x0  }
0x1f: {  	s9 =	smul.u32 $0xF7A, s1;
	s8 =	simm.s32 @!p0 $0x1BF5;
	p2 =	por !p2, p0  }
0x20: {  	[sflag:s8] =	ssyncset.s32 @!p0 $0xFFFFF086;
	s6 =	sadd.s32 @!p0 s3, s7;
	s7 =	simm.s32 @!p0 $0x108  }
0x21: {  	s3 =	sadd.s32 s3, s9;
	s6 =	sadd.s32 @!p0 $0x88, s6;
	s7 =	simm.s32 @p2 $0x1082  }
0x22: {  	[simem:s7], [sflag:s8] =	dma.local @!p0 [hbm:s6], $0xF7A  }
0x23: {  	s9 =	sor.u32 $0xD0000000, s2;
	s6 =	simm.s32 $0x108;
	_ =	swait.ge @!p0 [sflag:s8], $0x0  }
0x24: {  	s3 =	sadd.s32 $0x88, s3;
	s6 =	simm.s32 @!p1 $0x1082;
	[sflag:s4] =	ssyncset.s32 $0xFFFFF086  }
0x25: {  	[simem:s6], [sflag:s4] =	dma.local [hbm:s3], $0xF7A  }
0x26: {  	[smem:$0x3F9F] =	sst s1;
	(tag) =	ssettag s2;
	_ =	strace s9  }
0x27: {  	s1 =	sld [smem:$0x3FAF]  }
0x28: {  	s2 =	sld [smem:$0x3FB0]  }
0x29: {  	s4 =	sld [smem:$0x3FB2]  }
0x2a: {  	p0 =	seq.s32 s5, $0x0;
	s5 =	sld [smem:$0x3FB3]  }
0x2b: {  	s6 =	sld [smem:$0x3FB4]  }
0x2c: {  	s7 =	sld [smem:$0x3FB5]  }
0x2d: {  	s3 =	simm.s32 $0x108;
	s8 =	sld [smem:$0x3FB6]  }
0x2e: {  	s3 =	simm.s32 @!p0 $0x1082;
	s9 =	sld [smem:$0x3FB7]  }
0x2f: {  	lr =	sadd.s32 s0, s3;
	s0 =	sld [smem:$0x3FAE]  }
0x30: {  	s3 =	sld [smem:$0x3FB1]  }
0x31: {  	[smem:$0x3FBA] =	sst s10  }
0x32: {  	s10 =	sld [smem:$0x3FB8];
	_ =	sdelay $0x3  }
0x33: {  	p0 =	seq.s32 s10, $0x1;
	s10 =	sld [smem:$0x3FBA];
	_ =	sdelay $0x3  }
0x34: {  	[smem:$0x3FBA] =	sst s10  }
0x35: {  	s10 =	sld [smem:$0x3FB9];
	_ =	sdelay $0x3  }
0x36: {  	p1 =	seq.s32 s10, $0x1;
	s10 =	sld [smem:$0x3FBA];
	_ =	sdelay $0x3  }
0x37: {  	[smem:$0x3FBA] =	sst s10  }
0x38: {  	s10 =	sld [smem:$0x3FBB]  }
0x39: {  	_ = 	snop;
	(pc) =	sbr.ind lr, $3  }
0x3a: {  	_ = 	snop  }
0x3b: {  	_ = 	snop  }
0x3c: {  	p2 =	seq.s32 s10, $0x1;
	s10 =	sld [smem:$0x3FBA]  }
0x3d: {  	_ =	shalt  }
0x3e: {  	_ =	shalt  }
0x3f: {  	_ =	shalt  }
0x40: {  	_ =	shalt  }
0x41: {  	_ =	shalt  }
0x42: {  	_ =	shalt  }
0x43: {  	_ =	shalt  }
0x44: {  	_ =	shalt  }
0x45: {  	_ =	shalt  }
0x46: {  	_ =	shalt  }
0x47: {  	_ =	shalt  }
0x48: {  	_ =	shalt  }
0x49: {  	_ =	shalt  }
0x4a: {  	_ =	shalt  }
0x4b: {  	_ =	shalt  }
0x4c: {  	_ =	shalt  }
0x4d: {  	_ =	shalt  }
0x4e: {  	_ =	shalt  }
0x4f: {  	_ =	shalt  }
0x50: {  	_ =	shalt  }
0x51: {  	_ =	shalt  }
0x52: {  	_ =	shalt  }
0x53: {  	_ =	shalt  }
0x54: {  	_ =	shalt  }
0x55: {  	_ =	shalt  }
0x56: {  	_ =	shalt  }
0x57: {  	_ =	shalt  }
0x58: {  	_ =	shalt  }
0x59: {  	_ =	shalt  }
0x5a: {  	_ =	shalt  }
0x5b: {  	_ =	shalt  }
0x5c: {  	_ =	shalt  }
0x5d: {  	_ =	shalt  }
0x5e: {  	_ =	shalt  }
0x5f: {  	_ =	shalt  }
0x60: {  	_ =	shalt  }
0x61: {  	_ =	shalt  }
0x62: {  	_ =	shalt  }
0x63: {  	_ =	shalt  }
0x64: {  	_ =	shalt  }
0x65: {  	_ =	shalt  }
0x66: {  	_ =	shalt  }
0x67: {  	_ =	shalt  }
0x68: {  	_ =	shalt  }
0x69: {  	_ =	shalt  }
0x6a: {  	_ =	shalt  }
0x6b: {  	_ =	shalt  }
0x6c: {  	_ =	shalt  }
0x6d: {  	_ =	shalt  }
0x6e: {  	_ =	shalt  }
0x6f: {  	_ =	shalt  }
0x70: {  	_ =	shalt  }
0x71: {  	_ =	shalt  }
0x72: {  	_ =	shalt  }
0x73: {  	_ =	shalt  }
0x74: {  	_ =	shalt  }
0x75: {  	_ =	shalt  }
0x76: {  	_ =	shalt  }
0x77: {  	_ =	shalt  }
0x78: {  	_ =	shalt  }
0x79: {  	_ =	shalt  }
0x7a: {  	_ =	shalt  }
0x7b: {  	_ =	shalt  }
0x7c: {  	_ =	shalt  }
0x7d: {  	_ =	shalt  }
0x7e: {  	_ =	shalt  }
0x7f: {  	_ =	shalt  }
0x80: {  	_ =	shalt  }
0x81: {  	_ =	shalt  }
0x82: {  	_ =	shalt  }
0x83: {  	_ =	shalt  }
0x84: {  	_ =	shalt  }
0x85: {  	_ =	shalt  }
0x86: {  	_ =	shalt  }
0x87: {  	_ =	shalt  }
.Lfunc_end0:
.L_simem_size_0:
called_computation_lowered:
.L_overlay_start_0:
0x88: {  	s2 =	sld [smem:$0x3FD9]  }
0x89: {  	s3 =	sld [smem:$0x3FFE];
	_ =	sdelay $0x1  }
0x8a: {  	s1 =	srdreg.scid  }
0x8b: {  	s0 =	sand.u32 $0x1, s1  }
0x8c: {  	s17 =	sshll.u32 s0, $0xA;
	s2 =	sadd.s32 s3, s2  }
0x8d: {  	s2 =	sadd.s32 s2, s17  }
0x8e: {  	[smem:$0x3FC6] =	sst s2  }
0x8f: {  	_ = 	snop  }
0x90: {  	s2 =	sld [smem:$0x3FC8]  }
0x91: {  	s18 =	sld [smem:$0x3FD0];
	(tm) =	ssettm $0x1  }
0x92: {  	s4 =	sld [smem:$0x3FFB];
	_ =	sdelay $0x3  }
0x93: {  	_ =	strace s4  }
0x94: {  	s4 =	sld [smem:$0x3FFC];
	_ =	sdelay $0x3  }
0x95: {  	_ =	strace s4  }
0x96: {  	s4 =	sld [smem:$0x3FFD];
	_ =	sdelay $0x3  }
0x97: {  	_ =	strace s4  }
0x98: {  	_ =	strace $0x8FFFFFFF  }
0x99: {  	s19 =	sld [smem:$0x3FDB];
	_ =	sdelay $0x1  }
0x9a: {  	s5 =	simm.s32 $_scs_section_size  }
0x9b: {  	s6 =	simm.s32 $_size__tile_overlayer_lowered;
	s7 =	simm.s32 $_tile_overlayer_lowered  }
0x9c: {  	s22 =	simm.s32 $0x1BFF;
	s21 =	sshll.u32 s7, $0x1;
	s4 =	sadd.s32 s5, s19  }
0x9d: {  	s8 =	simm.s32 $0x0;
	s20 =	sshll.u32 s6, $0x1;
	s6 =	sadd.s32 s21, s4  }
0x9e: {  	[timem:s8], [sflag:s22] =	dma.local [hbm:s6], s20  }
0x9f: {  	_ =	swait.ge [sflag:s22], s20  }
0xa0: {  	s5 =	ssub.s32 $0x0, s20;
	[sflag:s22] =	ssyncset.done $0x0  }
0xa1: {  	[sflag:s22] =	ssyncadd.s32 s5;
	_ =	sdelay $0x1  }
0xa2: {  	s23 =	simm.s32 $0x1B8B  }
0xa3: {  	_ =	swait.ge [sflag:s23], $0x1  }
0xa4: {  	[sflag:s23] =	ssyncset.done $0x0  }
0xa5: {  	s25 =	simm.s32 $0x1B8E;
	s24 =	sld [smem:$0x3FFE];
	[sflag:s23] =	ssyncadd.s32 $0xFFFFFFFF  }
0xa6: {  	s26 =	simm.s32 $execute0_lowered;
	[smem:$0x3FD2] =	sst s25  }
0xa7: {  	s6 =	sshll.u32 s26, $0x1;
	_ =	strace $0x80000046;
	[dreg:$0x1] =	wrdreg $0xFFFFFFFF  }
0xa8: {  	s28 =	simm.s32 $_size_execute0_lowered;
	s4 =	sadd.s32 s4, s6;
	[dreg:$0x0] =	wrdreg $0x0  }
0xa9: {  	s6 =	sshll.u32 s28, $0x1;
	[dreg:$0x2] =	wrdreg s4  }
0xaa: {  	[dreg:$0x3] =	wrdreg s6  }
0xab: {  	[dreg:$0x4] =	wrdreg $0xC0  }
0xac: {  	_ =	task [dreg:s8], $0x5FFFF  }
0xad: {  	[dreg:$0x1] =	wrdreg $0xFFFFFFFF  }
0xae: {  	[dreg:$0x0] =	wrdreg $0x60  }
0xaf: {  	[dreg:$0x2] =	wrdreg s24  }
0xb0: {  	[dreg:$0x3] =	wrdreg s2  }
0xb1: {  	[dreg:$0x4] =	wrdreg s18  }
0xb2: {  	[dreg:$0x5] =	wrdreg $0x9  }
0xb3: {  	_ =	task.clear_ibuf [dreg:s8], $0x6FFFF;
	_ =	strace $0x90000046  }
0xb4: {  	s29 =	simm.s32 $0x9;
	_ =	strace $0x80000048  }
0xb5: {  	_ =	swait.ge [sflag:s29], $0x1  }
0xb6: {  	[sflag:s29] =	ssyncadd.s32 $0xFFFFFFFF  }
0xb7: {  	_ =	strace $0x90000048  }
0xb8: {  	_ =	sfence  }
0xb9: {  	s30 =	sld [smem:$0x0];
	_ =	sdelay $0x2  }
0xba: {  	s31 =	sshll.u32 s1, $0xD;
	s1 =	sshrl.u32 s1, $0x2  }
0xbb: {  	s3 =	sand.u32 $0x4000, s31;
	s1 =	sadd.s32 s1, s30  }
0xbc: {  	s0 =	sor.u32 s3, s0;
	s1 =	sshll.u32 s1, $0x11  }
0xbd: {  	s0 =	sor.u32 s1, s0  }
0xbe: {  	s0 =	sadd.s32 $0x8F2B, s0  }
0xbf: {  	[sflag:s0] =	ssyncadd.remote.s32 $0x1  }
0xc0: {  	_ =	sfence.sel $0xFFFF  }
0xc1: {  	[dreg:$0x0] =	wrdreg $0xFFFFFFFF;
	(pc) =	sbr.abs _section_cstart, $3  }
0xc2: {  	[dreg:$0x1] =	wrdreg $0xFFFFFFFF  }
0xc3: {  	_ =	task.clear_ibuf [dreg:s8], $0x2FFFF;
	_ =	strace $0x9FFFFFFF  }
0xc4: {  	(tm) =	ssettm $0x7FFFFFFF  }
0xc5: {  	_ =	shalt  }
tec
execute0_lowered:
.L_overlay_start_1:
0x0: {  	(tag) =	ssettag $0x1  }
0x1: {  	s0 =	rddreg [dreg:$0x0];
	s1 =	srdreg.scid  }
0x2: {  	s10 =	stileid.u32;
	s2 =	rddreg [dreg:$0x1]  }
0x3: {  	s12 =	rddreg [dreg:$0x2];
	s15 =	simm.s32 $0x3;
	s16 =	simm.s32 $0x80  }
0x4: {  	s17 =	simm.s32 $0x1C00;
	s18 =	simm.s32 $0x5C00;
	s20 =	simm.s32 $0x9C00  }
0x5: {  	s22 =	simm.s32 $0xDC00;
	s23 =	simm.s32 $0x1;
	s28 =	simm.s32 $0x15C00  }
0x6: {  	s1 =	sand.u32 $0x1, s1;
	s3 =	sshll.u32 s10, $0x1;
	s14 =	smul.u32 $0x32000, s10  }
0x7: {  	s4 =	sor.u32 s1, s3;
	s6 =	ssub.s32 $0x2, s1;
	s1 =	smul.u32 $0x19000, s1  }
0x8: {  	s29 =	simm.s32 $0x2;
	s30 =	simm.s32 $0x1800;
	s5 =	smul.u32 $0x380, s4  }
0x9: {  	s31 =	simm.s32 $0x1880;
	s3 =	simm.s32 $0x0;
	s7 =	smul.u32 $0xC8000, s4  }
0xa: {  	[smem:$0x7FF] =	sst s3;
	s8 =	sshrl.u32 s6, $0x1;
	s9 =	smul.u32 $0x19000, s4  }
0xb: {  	s14 =	sadd.s32 s14, s12;
	_ =	strace $0x80000047;
	s13 =	ssub.s32 s6, s8  }
0xc: {  	s26 =	sadd.s32 s1, s14;
	s1 =	simm.s32 $0x0;
	s0 =	sadd.s32 s5, s0  }
0xd: {  	s24 =	sshrl.u32 s7, $0x3;
	s5 =	sadd.s32 s12, s9;
	s13 =	smax.u32 s13, $0x1  }
0xe: {  	s14 =	sadd.s32 $0x2000, s26;
	s26 =	simm.s32 $0x280;
	s25 =	sadd.s32 s12, s24  }
0xf: {  	s4 =	sadd.s32 $0x400, s0;
	s6 =	sadd.s32 $0x800, s5;
	s7 =	sadd.s32 $0x16000, s25  }
0x10: {  	s8 =	sadd.s32 $0x16800, s25;
	s9 =	sadd.s32 $0x17000, s25;
	s10 =	sadd.s32 $0x17800, s25  }
0x11: {  	s11 =	sadd.s32 $0x18000, s25;
	s12 =	sadd.s32 $0x18800, s25;
	s25 =	simm.s32 $0x11C00  }
.LBB2_1:
0x12: {  	[tilespmem:s3], [sflag:$0x3] =	stream.linear.gather [hbm4b:s4+s3], $0x1900, $0x38;
	[tilespmem:$0x19C00] =	vst v63  }
0x13: {  	_ =	swait.ge [sflag:s15], $0x1900  }
0x14: {  	[sflag:s15] =	ssyncset.done $0x0  }
0x15: {  	[sflag:s15] =	ssyncadd.s32 $0xFFFFE700  }
0x16: {  	[tilespmem:s17], [sflag:$0x1] =	stream.indirect.gather [hbm4b:s2+s16], $0x80, s3, s16, $0xb8;
	[tilespmem:$0x19C00] =	vst v63  }
0x17: {  	_ = 	snop  }
0x18: {  	[tilespmem:s18], [sflag:$0x1] =	stream.indirect.gather [hbm4b:s2+s16], $0x80, s16, s16, $0xb8;
	[tilespmem:$0x19C00] =	vst v63  }
0x19: {  	s0 =	simm.s32 $0x100  }
0x1a: {  	[tilespmem:s20], [sflag:$0x1] =	stream.indirect.gather [hbm4b:s2+s16], $0x80, s0, s16, $0xb8;
	[tilespmem:$0x19C00] =	vst v63  }
0x1b: {  	s19 =	simm.s32 $0x180  }
0x1c: {  	[tilespmem:s22], [sflag:$0x1] =	stream.indirect.gather [hbm4b:s2+s16], $0x80, s19, s16, $0xb8;
	[tilespmem:$0x19C00] =	vst v63  }
0x1d: {  	_ =	swait.ge [sflag:s23], $0x4000  }
0x1e: {  	[sflag:s23] =	ssyncset.done $0x0  }
0x1f: {  	[sflag:s23] =	ssyncadd.s32 $0xFFFFC000  }
0x20: {  	[hbm4b:s5+s3] =	stream.linear.scatter [tilespmem:s17], [sflag:$0x2], $0x4000, $0x38;
	[tilespmem:$0x19C00] =	vst v63  }
0x21: {  	s21 =	simm.s32 $0x200  }
0x22: {  	[tilespmem:s25], [sflag:$0x1] =	stream.indirect.gather [hbm4b:s2+s16], $0x80, s21, s16, $0xb8;
	[tilespmem:$0x19C00] =	vst v63  }
0x23: {  	_ =	swait.ge [sflag:s23], $0x4000  }
0x24: {  	[sflag:s23] =	ssyncset.done $0x0  }
0x25: {  	[sflag:s23] =	ssyncadd.s32 $0xFFFFC000  }
0x26: {  	[hbm4b:s6+s3] =	stream.linear.scatter [tilespmem:s18], [sflag:$0x2], $0x4000, $0x38;
	[tilespmem:$0x19C00] =	vst v63  }
0x27: {  	_ = 	snop  }
0x28: {  	[tilespmem:s28], [sflag:$0x1] =	stream.indirect.gather [hbm4b:s2+s16], $0x80, s26, s16, $0xb8;
	[tilespmem:$0x19C00] =	vst v63  }
0x29: {  	_ =	swait.ge [sflag:s23], $0x4000  }
0x2a: {  	[sflag:s23] =	ssyncset.done $0x0  }
0x2b: {  	[sflag:s23] =	ssyncadd.s32 $0xFFFFC000  }
0x2c: {  	_ =	swait.ge [sflag:s29], $0x4000  }
0x2d: {  	[sflag:s29] =	ssyncset.done $0x0  }
0x2e: {  	s24 =	sadd.s32 $0xFFFFF000, s14;
	[sflag:s29] =	ssyncadd.s32 $0xFFFFC000  }
0x2f: {  	[hbm4b:s24+s3] =	stream.linear.scatter [tilespmem:s20], [sflag:$0x2], $0x4000, $0x38;
	[tilespmem:$0x19C00] =	vst v63  }
0x30: {  	s19 =	simm.s32 $0x300  }
0x31: {  	[tilespmem:s17], [sflag:$0x1] =	stream.indirect.gather [hbm4b:s2+s16], $0x80, s19, s16, $0xb8;
	[tilespmem:$0x19C00] =	vst v63  }
0x32: {  	_ =	swait.ge [sflag:s23], $0x4000  }
0x33: {  	[sflag:s23] =	ssyncset.done $0x0  }
0x34: {  	[sflag:s23] =	ssyncadd.s32 $0xFFFFC000  }
0x35: {  	_ =	swait.ge [sflag:s29], $0x4000  }
0x36: {  	[sflag:s29] =	ssyncset.done $0x0  }
0x37: {  	s21 =	sadd.s32 $0xFFFFF800, s14;
	[sflag:s29] =	ssyncadd.s32 $0xFFFFC000  }
0x38: {  	[hbm4b:s21+s3] =	stream.linear.scatter [tilespmem:s22], [sflag:$0x2], $0x4000, $0x38;
	[tilespmem:$0x19C00] =	vst v63  }
0x39: {  	s24 =	simm.s32 $0x380  }
0x3a: {  	[tilespmem:s18], [sflag:$0x1] =	stream.indirect.gather [hbm4b:s2+s16], $0x80, s24, s16, $0xb8;
	[tilespmem:$0x19C00] =	vst v63  }
0x3b: {  	_ =	swait.ge [sflag:s23], $0x4000  }
0x3c: {  	[sflag:s23] =	ssyncset.done $0x0  }
0x3d: {  	[sflag:s23] =	ssyncadd.s32 $0xFFFFC000  }
0x3e: {  	_ =	swait.ge [sflag:s29], $0x4000  }
0x3f: {  	[sflag:s29] =	ssyncset.done $0x0  }
0x40: {  	[sflag:s29] =	ssyncadd.s32 $0xFFFFC000  }
0x41: {  	[hbm4b:s14+s3] =	stream.linear.scatter [tilespmem:s25], [sflag:$0x2], $0x4000, $0x38;
	[tilespmem:$0x19C00] =	vst v63  }
0x42: {  	s19 =	simm.s32 $0x400  }
0x43: {  	[tilespmem:s20], [sflag:$0x1] =	stream.indirect.gather [hbm4b:s2+s16], $0x80, s19, s16, $0xb8;
	[tilespmem:$0x19C00] =	vst v63  }
0x44: {  	_ =	swait.ge [sflag:s23], $0x4000  }
0x45: {  	[sflag:s23] =	ssyncset.done $0x0  }
0x46: {  	[sflag:s23] =	ssyncadd.s32 $0xFFFFC000  }
0x47: {  	_ =	swait.ge [sflag:s29], $0x4000  }
0x48: {  	[sflag:s29] =	ssyncset.done $0x0  }
0x49: {  	s21 =	sadd.s32 $0x800, s14;
	[sflag:s29] =	ssyncadd.s32 $0xFFFFC000  }
0x4a: {  	[hbm4b:s21+s3] =	stream.linear.scatter [tilespmem:s28], [sflag:$0x2], $0x4000, $0x38;
	[tilespmem:$0x19C00] =	vst v63  }
0x4b: {  	s24 =	simm.s32 $0x480  }
0x4c: {  	[tilespmem:s22], [sflag:$0x1] =	stream.indirect.gather [hbm4b:s2+s16], $0x80, s24, s16, $0xb8;
	[tilespmem:$0x19C00] =	vst v63  }
0x4d: {  	_ =	swait.ge [sflag:s23], $0x4000  }
0x4e: {  	[sflag:s23] =	ssyncset.done $0x0  }
0x4f: {  	[sflag:s23] =	ssyncadd.s32 $0xFFFFC000  }
0x50: {  	_ =	swait.ge [sflag:s29], $0x4000  }
0x51: {  	[sflag:s29] =	ssyncset.done $0x0  }
0x52: {  	s19 =	sadd.s32 $0x1000, s14;
	[sflag:s29] =	ssyncadd.s32 $0xFFFFC000  }
0x53: {  	[hbm4b:s19+s3] =	stream.linear.scatter [tilespmem:s17], [sflag:$0x2], $0x4000, $0x38;
	[tilespmem:$0x19C00] =	vst v63  }
0x54: {  	s21 =	simm.s32 $0x500  }
0x55: {  	[tilespmem:s25], [sflag:$0x1] =	stream.indirect.gather [hbm4b:s2+s16], $0x80, s21, s16, $0xb8;
	[tilespmem:$0x19C00] =	vst v63  }
0x56: {  	_ =	swait.ge [sflag:s23], $0x4000  }
0x57: {  	[sflag:s23] =	ssyncset.done $0x0  }
0x58: {  	[sflag:s23] =	ssyncadd.s32 $0xFFFFC000  }
0x59: {  	_ =	swait.ge [sflag:s29], $0x4000  }
0x5a: {  	s0 =	simm.s32 $0xC00;
	s24 =	sadd.s32 $0x1800, s14;
	[sflag:s29] =	ssyncset.done $0x0  }
0x5b: {  	s19 =	sadd.s32 $0x3000, s14;
	s21 =	simm.s32 $0x580;
	[sflag:s29] =	ssyncadd.s32 $0xFFFFC000  }
0x5c: {  	[hbm4b:s24+s3] =	stream.linear.scatter [tilespmem:s18], [sflag:$0x2], $0x4000, $0x38;
	[tilespmem:$0x19C00] =	vst v63  }
.LBB2_2:
0x5d: {  	[tilespmem:s28], [sflag:$0x1] =	stream.indirect.gather [hbm4b:s2+s16], $0x80, s21, s16, $0xb8;
	[tilespmem:$0x19C00] =	vst v63  }
0x5e: {  	s21 =	smov.u32 s0  }
0x5f: {  	p0 =	sne.s32 s0, $0x4800;
	s0 =	sadd.s32 $0xC00, s0;
	_ =	swait.ge [sflag:s23], $0x4000  }
0x60: {  	[sflag:s23] =	ssyncset.done $0x0  }
0x61: {  	[sflag:s23] =	ssyncadd.s32 $0xFFFFC000  }
0x62: {  	_ =	swait.ge [sflag:s29], $0x4000  }
0x63: {  	[sflag:s29] =	ssyncset.done $0x0  }
0x64: {  	s24 =	sadd.s32 $0xFFFFF000, s19;
	s21 =	sshra.s32 s21, $0x2;
	[sflag:s29] =	ssyncadd.s32 $0xFFFFC000  }
0x65: {  	[hbm4b:s24+s3] =	stream.linear.scatter [tilespmem:s20], [sflag:$0x2], $0x4000, $0x38;
	[tilespmem:$0x19C00] =	vst v63  }
0x66: {  	s24 =	sadd.s32 $0x300, s21  }
0x67: {  	[tilespmem:s17], [sflag:$0x1] =	stream.indirect.gather [hbm4b:s2+s16], $0x80, s24, s16, $0xb8;
	[tilespmem:$0x19C00] =	vst v63  }
0x68: {  	_ =	swait.ge [sflag:s23], $0x4000  }
0x69: {  	[sflag:s23] =	ssyncset.done $0x0  }
0x6a: {  	[sflag:s23] =	ssyncadd.s32 $0xFFFFC000  }
0x6b: {  	_ =	swait.ge [sflag:s29], $0x4000  }
0x6c: {  	[sflag:s29] =	ssyncset.done $0x0  }
0x6d: {  	s24 =	sadd.s32 $0xFFFFF800, s19;
	[sflag:s29] =	ssyncadd.s32 $0xFFFFC000  }
0x6e: {  	[hbm4b:s24+s3] =	stream.linear.scatter [tilespmem:s22], [sflag:$0x2], $0x4000, $0x38;
	[tilespmem:$0x19C00] =	vst v63  }
0x6f: {  	s24 =	sadd.s32 $0x380, s21  }
0x70: {  	[tilespmem:s18], [sflag:$0x1] =	stream.indirect.gather [hbm4b:s2+s16], $0x80, s24, s16, $0xb8;
	[tilespmem:$0x19C00] =	vst v63  }
0x71: {  	_ =	swait.ge [sflag:s23], $0x4000  }
0x72: {  	[sflag:s23] =	ssyncset.done $0x0  }
0x73: {  	[sflag:s23] =	ssyncadd.s32 $0xFFFFC000  }
0x74: {  	_ =	swait.ge [sflag:s29], $0x4000  }
0x75: {  	[sflag:s29] =	ssyncset.done $0x0  }
0x76: {  	[sflag:s29] =	ssyncadd.s32 $0xFFFFC000  }
0x77: {  	[hbm4b:s19+s3] =	stream.linear.scatter [tilespmem:s25], [sflag:$0x2], $0x4000, $0x38;
	[tilespmem:$0x19C00] =	vst v63  }
0x78: {  	s24 =	sadd.s32 $0x400, s21  }
0x79: {  	[tilespmem:s20], [sflag:$0x1] =	stream.indirect.gather [hbm4b:s2+s16], $0x80, s24, s16, $0xb8;
	[tilespmem:$0x19C00] =	vst v63  }
0x7a: {  	_ =	swait.ge [sflag:s23], $0x4000  }
0x7b: {  	[sflag:s23] =	ssyncset.done $0x0  }
0x7c: {  	[sflag:s23] =	ssyncadd.s32 $0xFFFFC000  }
0x7d: {  	_ =	swait.ge [sflag:s29], $0x4000  }
0x7e: {  	[sflag:s29] =	ssyncset.done $0x0  }
0x7f: {  	s24 =	sadd.s32 $0x800, s19;
	[sflag:s29] =	ssyncadd.s32 $0xFFFFC000  }
0x80: {  	[hbm4b:s24+s3] =	stream.linear.scatter [tilespmem:s28], [sflag:$0x2], $0x4000, $0x38;
	[tilespmem:$0x19C00] =	vst v63  }
0x81: {  	s24 =	sadd.s32 $0x480, s21  }
0x82: {  	[tilespmem:s22], [sflag:$0x1] =	stream.indirect.gather [hbm4b:s2+s16], $0x80, s24, s16, $0xb8;
	[tilespmem:$0x19C00] =	vst v63  }
0x83: {  	_ =	swait.ge [sflag:s23], $0x4000  }
0x84: {  	[sflag:s23] =	ssyncset.done $0x0  }
0x85: {  	[sflag:s23] =	ssyncadd.s32 $0xFFFFC000  }
0x86: {  	_ =	swait.ge [sflag:s29], $0x4000  }
0x87: {  	[sflag:s29] =	ssyncset.done $0x0  }
0x88: {  	s24 =	sadd.s32 $0x1000, s19;
	[sflag:s29] =	ssyncadd.s32 $0xFFFFC000  }
0x89: {  	[hbm4b:s24+s3] =	stream.linear.scatter [tilespmem:s17], [sflag:$0x2], $0x4000, $0x38;
	[tilespmem:$0x19C00] =	vst v63  }
0x8a: {  	s24 =	sadd.s32 $0x500, s21  }
0x8b: {  	[tilespmem:s25], [sflag:$0x1] =	stream.indirect.gather [hbm4b:s2+s16], $0x80, s24, s16, $0xb8;
	[tilespmem:$0x19C00] =	vst v63  }
0x8c: {  	_ =	swait.ge [sflag:s23], $0x4000  }
0x8d: {  	[sflag:s23] =	ssyncset.done $0x0  }
0x8e: {  	[sflag:s23] =	ssyncadd.s32 $0xFFFFC000  }
.Ltmp0:
0x8f: {  	_ =	swait.ge [sflag:s29], $0x4000;
	(pc) =	sbr.rel @p0 .LBB2_2-.Ltmp0, $4  }
0x90: {  	[sflag:s29] =	ssyncset.done $0x0  }
0x91: {  	s24 =	sadd.s32 $0x1800, s19;
	[sflag:s29] =	ssyncadd.s32 $0xFFFFC000  }
0x92: {  	[hbm4b:s24+s3] =	stream.linear.scatter [tilespmem:s18], [sflag:$0x2], $0x4000, $0x38;
	[tilespmem:$0x19C00] =	vst v63  }
0x93: {  	s21 =	sadd.s32 $0x580, s21;
	s19 =	sadd.s32 $0x3000, s19  }
0x94: {  	[tilespmem:s28], [sflag:$0x1] =	stream.indirect.gather [hbm4b:s2+s16], $0x80, s21, s16, $0xb8;
	[tilespmem:$0x19C00] =	vst v63  }
0x95: {  	_ =	swait.ge [sflag:s23], $0x4000  }
0x96: {  	[sflag:s23] =	ssyncset.done $0x0  }
0x97: {  	[sflag:s23] =	ssyncadd.s32 $0xFFFFC000  }
0x98: {  	_ =	swait.ge [sflag:s29], $0x4000  }
0x99: {  	[sflag:s29] =	ssyncset.done $0x0  }
0x9a: {  	[sflag:s29] =	ssyncadd.s32 $0xFFFFC000  }
0x9b: {  	[hbm4b:s7+s3] =	stream.linear.scatter [tilespmem:s20], [sflag:$0x2], $0x4000, $0x38;
	[tilespmem:$0x19C00] =	vst v63  }
0x9c: {  	_ = 	snop  }
0x9d: {  	[tilespmem:s17], [sflag:$0x1] =	stream.indirect.gather [hbm4b:s2+s16], $0x80, s30, s16, $0xb8;
	[tilespmem:$0x19C00] =	vst v63  }
0x9e: {  	_ =	swait.ge [sflag:s23], $0x4000  }
0x9f: {  	[sflag:s23] =	ssyncset.done $0x0  }
0xa0: {  	[sflag:s23] =	ssyncadd.s32 $0xFFFFC000  }
0xa1: {  	_ =	swait.ge [sflag:s29], $0x4000  }
0xa2: {  	[sflag:s29] =	ssyncset.done $0x0  }
0xa3: {  	[sflag:s29] =	ssyncadd.s32 $0xFFFFC000  }
0xa4: {  	[hbm4b:s8+s3] =	stream.linear.scatter [tilespmem:s22], [sflag:$0x2], $0x4000, $0x38;
	[tilespmem:$0x19C00] =	vst v63  }
0xa5: {  	_ = 	snop  }
0xa6: {  	[tilespmem:s18], [sflag:$0x1] =	stream.indirect.gather [hbm4b:s2+s16], $0x80, s31, s16, $0xb8;
	[tilespmem:$0x19C00] =	vst v63  }
0xa7: {  	_ =	swait.ge [sflag:s23], $0x4000  }
0xa8: {  	[sflag:s23] =	ssyncset.done $0x0  }
0xa9: {  	[sflag:s23] =	ssyncadd.s32 $0xFFFFC000  }
0xaa: {  	_ =	swait.ge [sflag:s29], $0x4000  }
0xab: {  	[sflag:s29] =	ssyncset.done $0x0  }
0xac: {  	[sflag:s29] =	ssyncadd.s32 $0xFFFFC000  }
0xad: {  	[hbm4b:s9+s3] =	stream.linear.scatter [tilespmem:s25], [sflag:$0x2], $0x4000, $0x38;
	[tilespmem:$0x19C00] =	vst v63  }
0xae: {  	_ =	swait.ge [sflag:s23], $0x4000  }
0xaf: {  	[sflag:s23] =	ssyncset.done $0x0  }
0xb0: {  	[sflag:s23] =	ssyncadd.s32 $0xFFFFC000  }
0xb1: {  	_ =	swait.ge [sflag:s29], $0x4000  }
0xb2: {  	[sflag:s29] =	ssyncset.done $0x0  }
0xb3: {  	[sflag:s29] =	ssyncadd.s32 $0xFFFFC000  }
0xb4: {  	[hbm4b:s10+s3] =	stream.linear.scatter [tilespmem:s28], [sflag:$0x2], $0x4000, $0x38;
	[tilespmem:$0x19C00] =	vst v63  }
0xb5: {  	_ =	swait.ge [sflag:s23], $0x4000  }
0xb6: {  	[sflag:s23] =	ssyncset.done $0x0  }
0xb7: {  	[sflag:s23] =	ssyncadd.s32 $0xFFFFC000  }
0xb8: {  	_ =	swait.ge [sflag:s29], $0x4000  }
0xb9: {  	[sflag:s29] =	ssyncset.done $0x0  }
0xba: {  	[sflag:s29] =	ssyncadd.s32 $0xFFFFC000  }
0xbb: {  	[hbm4b:s11+s3] =	stream.linear.scatter [tilespmem:s17], [sflag:$0x2], $0x4000, $0x38;
	[tilespmem:$0x19C00] =	vst v63  }
0xbc: {  	_ =	swait.ge [sflag:s23], $0x4000  }
0xbd: {  	[sflag:s23] =	ssyncset.done $0x0  }
0xbe: {  	[sflag:s23] =	ssyncadd.s32 $0xFFFFC000  }
0xbf: {  	_ =	swait.ge [sflag:s29], $0x4000  }
0xc0: {  	[sflag:s29] =	ssyncset.done $0x0  }
0xc1: {  	s1 =	sadd.s32 $0x1, s1;
	[sflag:s29] =	ssyncadd.s32 $0xFFFFC000  }
0xc2: {  	[hbm4b:s12+s3] =	stream.linear.scatter [tilespmem:s18], [sflag:$0x2], $0x4000, $0x38;
	[tilespmem:$0x19C00] =	vst v63  }
0xc3: {  	p0 =	sne.s32 s1, s13;
	_ =	swait.ge [sflag:s29], $0x4000  }
.Ltmp1:
0xc4: {  	[sflag:s29] =	ssyncset.done $0x0;
	(pc) =	sbr.rel @p0 .LBB2_1-.Ltmp1, $4  }
0xc5: {  	[sflag:s29] =	ssyncadd.s32 $0xFFFFC000  }
0xc6: {  	_ =	swait.ge [sflag:s29], $0x4000  }
0xc7: {  	[sflag:s29] =	ssyncset.done $0x0  }
0xc8: {  	[sflag:s29] =	ssyncadd.s32 $0xFFFFC000  }
0xc9: {  	_ =	sfence.sel $0x180000  }
0xca: {  	[bflag:$0x0] =	sbarrier.arrive $0xFFFF  }
0xcb: {  	_ =	strace $0x90000047  }
0xcc: {  	s0 =	stileid.u32;
	[bflag:$0x2] =	sbarrier.arrive $0xFFFF  }
0xcd: {  	p0 =	sne.s32 s0, $0x0;
	s0 =	rddreg [dreg:$0x3]  }
0xce: {  	s0 =	sadd.s32 @!p0 $0x100000, s0  }
0xcf: {  	[sflag:s0] =	ssyncadd.tile.s32 @!p0 $0x1;
	_ =	shalt  }
.Lfunc_end2:
_tile_overlayer_lowered:
.L_overlay_start_2:
0xd0: {  	(tag) =	ssettag $0x2  }
0xd1: {  	s0 =	rddreg [dreg:$0x0];
	s2 =	stileid.u32  }
0xd2: {  	s1 =	rddreg [dreg:$0x1];
	p0 =	sne.s32 s2, $0x0  }
0xd3: {  	s3 =	rddreg [dreg:$0x2];
	[bflag:$0x3] =	sbarrier.arrive $0xFFFF;
	s2 =	simm.s32 @!p0 $0x1C03  }
0xd4: {  	[timem:s3], [sflag:s2] =	dma.local @!p0 [hbm:s0], s1  }
0xd5: {  	s0 =	simm.s32 @!p0 $0x3  }
0xd6: {  	_ =	swait.ge @!p0 [sflag:s0], s1  }
0xd7: {  	s1 =	ssub.s32 @!p0 $0x0, s1;
	[sflag:s0] =	ssyncset.done @!p0 $0x0  }
0xd8: {  	[sflag:s0] =	ssyncadd.s32 @!p0 s1  }
0xd9: {  	[bflag:$0x3] =	sbarrier.arrive $0xFFFF  }
0xda: {  	_ =	shalt  }

</sc_bundles>
